<compile_context>
chip_gen: v7x
topology: tpu7x:2x2x1
jax: 0.10.2.dev20260603
libtpu: 0.0.44.dev20260713+nightly
codegen_flags: <defaults>
</compile_context>

<pallas_src>
import jax
import jax.numpy as jnp
from jax import lax
from jax.experimental import pallas as pl
from jax.experimental.pallas import tpu as pltpu, tpu_sc as plsc

B = 1048576
N_T = 8
N_S = 8
TBL = N_T * N_S * N_T * N_S

NC = 2
NS = 16
L = 16
NW = NC * NS
PER_W = B // NW
CHUNK = 8192
N_CHUNKS = PER_W // CHUNK
N_PAIRS = N_CHUNKS // 2


def _make_sc_call():
    mesh = plsc.VectorSubcoreMesh(core_axis_name="c", subcore_axis_name="s")

    chunk_i32 = pltpu.VMEM((CHUNK,), jnp.int32)

    def sc_kernel(tp_hbm, sp_hbm, t_hbm, s_hbm, obs_hbm, alpha_hbm, beta_hbm,
                  out_hbm,
                  table_v, obs_v, alpha_v, beta_v, decay_v,
                  tp0, sp0, t0, s0,
                  tp1, sp1, t1, s1,
                  out_a, out_b,
                  sem_p, sem_a, sem_b, sem_oa, sem_ob):
        wid = lax.axis_index("s") * NC + lax.axis_index("c")
        banks = ((tp0, sp0, t0, s0), (tp1, sp1, t1, s1))
        srcs = (tp_hbm, sp_hbm, t_hbm, s_hbm)

        def in_copies(c, bank, sem):
            base = wid * PER_W + c * CHUNK
            return [pltpu.make_async_copy(src.at[pl.ds(base, CHUNK)], dst, sem)
                    for src, dst in zip(srcs, bank)]

        c1 = pltpu.make_async_copy(obs_hbm, obs_v, sem_p)
        c2 = pltpu.make_async_copy(alpha_hbm, alpha_v, sem_p)
        c3 = pltpu.make_async_copy(beta_hbm, beta_v, sem_p)
        c1.start(); c2.start(); c3.start()
        for cp in in_copies(0, banks[0], sem_a):
            cp.start()
        c1.wait(); c2.wait(); c3.wait()

        lane = lax.iota(jnp.int32, L)
        beta = plsc.load_gather(beta_v, [lane & 0])
        decay_v[pl.ds(0, L)] = beta * jnp.exp(-beta * lane.astype(jnp.float32))

        zeros = jnp.zeros((L,), jnp.float32)

        @plsc.parallel_loop(0, TBL // L, unroll=8)
        def _zero(i):
            table_v[pl.ds(i * L, L)] = zeros

        @plsc.parallel_loop(0, N_T * N_S * N_T // L, unroll=4)
        def _build(i):
            e = i * L + lane
            tp_i = e >> 6
            sp_i = (e >> 3) & 7
            t_i = e & 7
            obs_g = plsc.load_gather(obs_v, [tp_i, sp_i]).astype(jnp.float32)
            al_g = plsc.load_gather(alpha_v, [sp_i, sp_i])
            dk = plsc.load_gather(decay_v, [jnp.abs(t_i - tp_i)])
            plsc.store_scatter(table_v, [e * N_S + sp_i], al_g * obs_g * dk)

        def do_chunk(c, bank, sem, out_v, sem_out, out_wait_pred):
            for cp in in_copies(c, bank, sem):
                cp.wait()
            out_wait = pltpu.make_async_copy(
                out_hbm.at[pl.ds(wid * PER_W, CHUNK)], out_v, sem_out).wait
            pl.when(out_wait_pred)(out_wait)
            tp_v, sp_v, t_v, s_v = bank

            @plsc.parallel_loop(0, CHUNK // L, unroll=8)
            def _gather(k):
                sl = pl.ds(k * L, L)
                flat = ((tp_v[sl] * N_S + sp_v[sl]) * N_T + t_v[sl]) * N_S + s_v[sl]
                out_v[sl] = plsc.load_gather(table_v, [flat])

            base = wid * PER_W + c * CHUNK
            pltpu.make_async_copy(out_v, out_hbm.at[pl.ds(base, CHUNK)],
                                  sem_out).start()

        def pair(j, _):
            c0 = 2 * j
            for cp in in_copies(c0 + 1, banks[1], sem_b):
                cp.start()
            do_chunk(c0, banks[0], sem_a, out_a, sem_oa, j > 0)

            @pl.when(c0 + 2 < N_CHUNKS)
            def _():
                for cp in in_copies(c0 + 2, banks[0], sem_a):
                    cp.start()
            do_chunk(c0 + 1, banks[1], sem_b, out_b, sem_ob, j > 0)
            return 0

        lax.fori_loop(0, N_PAIRS, pair, 0)
        pltpu.make_async_copy(
            out_a, out_hbm.at[pl.ds(wid * PER_W + (N_CHUNKS - 2) * CHUNK, CHUNK)],
            sem_oa).wait()
        pltpu.make_async_copy(
            out_b, out_hbm.at[pl.ds(wid * PER_W + (N_CHUNKS - 1) * CHUNK, CHUNK)],
            sem_ob).wait()

    return pl.kernel(
        sc_kernel,
        out_type=jax.ShapeDtypeStruct((B,), jnp.float32),
        mesh=mesh,
        compiler_params=pltpu.CompilerParams(needs_layout_passes=False),
        scratch_types=[
            pltpu.VMEM((TBL,), jnp.float32),
            pltpu.VMEM((N_T, N_S), jnp.int32),
            pltpu.VMEM((N_S, N_S), jnp.float32),
            pltpu.VMEM((1,), jnp.float32),
            pltpu.VMEM((L,), jnp.float32),
            chunk_i32, chunk_i32, chunk_i32, chunk_i32,
            chunk_i32, chunk_i32, chunk_i32, chunk_i32,
            pltpu.VMEM((CHUNK,), jnp.float32),
            pltpu.VMEM((CHUNK,), jnp.float32),
            pltpu.SemaphoreType.DMA,
            pltpu.SemaphoreType.DMA,
            pltpu.SemaphoreType.DMA,
            pltpu.SemaphoreType.DMA,
            pltpu.SemaphoreType.DMA,
        ],
    )


_SC_CALL = _make_sc_call()


def kernel(tp, sp, t, s, obs, alpha, beta):
    return _SC_CALL(tp, sp, t, s, obs, alpha, beta)

# --- scband reference (transcript-rebuilt; emitter-appended) ---
"""Pipeline reference for scband-discrete-exponential-kernel-61856118997058 (READ-ONLY COPY).

The authoritative reference and input builder live on the scoring server;
editing this copy changes nothing except your own understanding.
"""

import jax, jax.numpy as jnp
import numpy as np

B = 1048576
N_TIME = 8
N_SPACE = 8

def setup_inputs(seed: int = 0) -> dict:
    key = jax.random.key(seed)
    tp = jax.random.randint(jax.random.fold_in(key, 0), (B,), 0, N_TIME)
    sp = jax.random.randint(jax.random.fold_in(key, 1), (B,), 0, N_SPACE)
    t = jax.random.randint(jax.random.fold_in(key, 2), (B,), 0, N_TIME)
    s = jax.random.randint(jax.random.fold_in(key, 3), (B,), 0, N_SPACE)
    # buffers / parameters matching the torch init_kwargs exactly
    obs = jnp.mod(jnp.arange(N_TIME * N_SPACE), 5).reshape(N_TIME, N_SPACE)
    alpha = jnp.eye(N_SPACE, dtype=jnp.float32)
    beta = jnp.array([0.5], dtype=jnp.float32)
    return {"tp": tp, "sp": sp, "t": t, "s": s, "obs": obs, "alpha": alpha, "beta": beta}

def reference(tp, sp, t, s, obs, alpha, beta):
    # obs_ = self.obs[tp, sp]  -- batched gather from the observation table
    obs_ = obs[tp, sp].astype(jnp.float32)
    # temp = eye(n_space) * alpha ; alpha_ = temp[sp, s]
    temp = jnp.eye(obs.shape[1], dtype=jnp.float32) * alpha
    alpha_ = temp[sp, s]
    dt = jnp.abs(t - tp).astype(jnp.float32)
    val = alpha_ * obs_ * beta * jnp.exp(-beta * dt)
    return val

if __name__ == "__main__":
    import jax
    _d = setup_inputs()
    print(jax.jit(kernel)(*tuple(_d.values())))

</pallas_src>

<mosaic_0001>
#map = affine_map<(d0, d1) -> (0)>
#map1 = affine_map<(d0, d1) -> (0, 0)>
module attributes {stable_mosaic.version = 14 : i64} {
  func.func @sc_kernel(%arg0: i32, %arg1: i32, %arg2: memref<1048576xi32, #tpu.memory_space<hbm>>, %arg3: memref<1048576xi32, #tpu.memory_space<hbm>>, %arg4: memref<1048576xi32, #tpu.memory_space<hbm>>, %arg5: memref<1048576xi32, #tpu.memory_space<hbm>>, %arg6: memref<8x8xi32, #tpu.memory_space<hbm>>, %arg7: memref<8x8xf32, #tpu.memory_space<hbm>>, %arg8: memref<1xf32, #tpu.memory_space<hbm>>, %arg9: memref<1048576xf32, #tpu.memory_space<hbm>>, %arg10: memref<4096xf32, #tpu.memory_space<vmem>>, %arg11: memref<8x8xi32, #tpu.memory_space<vmem>>, %arg12: memref<8x8xf32, #tpu.memory_space<vmem>>, %arg13: memref<1xf32, #tpu.memory_space<vmem>>, %arg14: memref<16xf32, #tpu.memory_space<vmem>>, %arg15: memref<8192xi32, #tpu.memory_space<vmem>>, %arg16: memref<8192xi32, #tpu.memory_space<vmem>>, %arg17: memref<8192xi32, #tpu.memory_space<vmem>>, %arg18: memref<8192xi32, #tpu.memory_space<vmem>>, %arg19: memref<8192xi32, #tpu.memory_space<vmem>>, %arg20: memref<8192xi32, #tpu.memory_space<vmem>>, %arg21: memref<8192xi32, #tpu.memory_space<vmem>>, %arg22: memref<8192xi32, #tpu.memory_space<vmem>>, %arg23: memref<8192xf32, #tpu.memory_space<vmem>>, %arg24: memref<8192xf32, #tpu.memory_space<vmem>>, %arg25: memref<!tpu.dma_semaphore, #tpu.memory_space<semaphore_mem>>, %arg26: memref<!tpu.dma_semaphore, #tpu.memory_space<semaphore_mem>>, %arg27: memref<!tpu.dma_semaphore, #tpu.memory_space<semaphore_mem>>, %arg28: memref<!tpu.dma_semaphore, #tpu.memory_space<semaphore_mem>>, %arg29: memref<!tpu.dma_semaphore, #tpu.memory_space<semaphore_mem>>) attributes {dimension_semantics = [#tpu.dimension_semantics<core_parallel>, #tpu.dimension_semantics<subcore_parallel>], iteration_bounds = array<i64: 2, 16>, scalar_prefetch = 0 : i64, scratch_operands = 20 : i64, tpu.core_type = #tpu.core_type<sc_vector_subcore>, window_params = [{transform_indices = #map}, {transform_indices = #map}, {transform_indices = #map}, {transform_indices = #map}, {transform_indices = #map1}, {transform_indices = #map1}, {transform_indices = #map}, {transform_indices = #map}]} {
    %mul3A = arith.constant 2 : i32
    %mul3A_0 = arith.muli %arg1, %mul3A : i32
    %add3A = arith.addi %mul3A_0, %arg0 : i32
    tpu.enqueue_dma source(%arg6 : memref<8x8xi32, #tpu.memory_space<hbm>>) target(%arg11 : memref<8x8xi32, #tpu.memory_space<vmem>>) target_semaphore(%arg25 : memref<!tpu.dma_semaphore, #tpu.memory_space<semaphore_mem>>)
    tpu.enqueue_dma source(%arg7 : memref<8x8xf32, #tpu.memory_space<hbm>>) target(%arg12 : memref<8x8xf32, #tpu.memory_space<vmem>>) target_semaphore(%arg25 : memref<!tpu.dma_semaphore, #tpu.memory_space<semaphore_mem>>)
    tpu.enqueue_dma source(%arg8 : memref<1xf32, #tpu.memory_space<hbm>>) target(%arg13 : memref<1xf32, #tpu.memory_space<vmem>>) target_semaphore(%arg25 : memref<!tpu.dma_semaphore, #tpu.memory_space<semaphore_mem>>)
    %mul3A_1 = arith.constant 32768 : i32
    %mul3A_2 = arith.muli %add3A, %mul3A_1 : i32
    %add3A_3 = arith.constant 0 : i32
    %add3A_4 = arith.addi %mul3A_2, %add3A_3 : i32
    %dma_start3A = tpu.memref_slice %arg2[%add3A_4] : memref<1048576xi32, #tpu.memory_space<hbm>> -> memref<8192xi32, #tpu.memory_space<hbm>>
    %dma_start3A_5 = tpu.memref_slice %arg2[%add3A_4] : memref<1048576xi32, #tpu.memory_space<hbm>> -> memref<8192xi32, #tpu.memory_space<hbm>>
    tpu.enqueue_dma source(%dma_start3A_5 : memref<8192xi32, #tpu.memory_space<hbm>>) target(%arg15 : memref<8192xi32, #tpu.memory_space<vmem>>) target_semaphore(%arg26 : memref<!tpu.dma_semaphore, #tpu.memory_space<semaphore_mem>>)
    %dma_start3A_6 = tpu.memref_slice %arg3[%add3A_4] : memref<1048576xi32, #tpu.memory_space<hbm>> -> memref<8192xi32, #tpu.memory_space<hbm>>
    %dma_start3A_7 = tpu.memref_slice %arg3[%add3A_4] : memref<1048576xi32, #tpu.memory_space<hbm>> -> memref<8192xi32, #tpu.memory_space<hbm>>
    tpu.enqueue_dma source(%dma_start3A_7 : memref<8192xi32, #tpu.memory_space<hbm>>) target(%arg16 : memref<8192xi32, #tpu.memory_space<vmem>>) target_semaphore(%arg26 : memref<!tpu.dma_semaphore, #tpu.memory_space<semaphore_mem>>)
    %dma_start3A_8 = tpu.memref_slice %arg4[%add3A_4] : memref<1048576xi32, #tpu.memory_space<hbm>> -> memref<8192xi32, #tpu.memory_space<hbm>>
    %dma_start3A_9 = tpu.memref_slice %arg4[%add3A_4] : memref<1048576xi32, #tpu.memory_space<hbm>> -> memref<8192xi32, #tpu.memory_space<hbm>>
    tpu.enqueue_dma source(%dma_start3A_9 : memref<8192xi32, #tpu.memory_space<hbm>>) target(%arg17 : memref<8192xi32, #tpu.memory_space<vmem>>) target_semaphore(%arg26 : memref<!tpu.dma_semaphore, #tpu.memory_space<semaphore_mem>>)
    %dma_start3A_10 = tpu.memref_slice %arg5[%add3A_4] : memref<1048576xi32, #tpu.memory_space<hbm>> -> memref<8192xi32, #tpu.memory_space<hbm>>
    %dma_start3A_11 = tpu.memref_slice %arg5[%add3A_4] : memref<1048576xi32, #tpu.memory_space<hbm>> -> memref<8192xi32, #tpu.memory_space<hbm>>
    tpu.enqueue_dma source(%dma_start3A_11 : memref<8192xi32, #tpu.memory_space<hbm>>) target(%arg18 : memref<8192xi32, #tpu.memory_space<vmem>>) target_semaphore(%arg26 : memref<!tpu.dma_semaphore, #tpu.memory_space<semaphore_mem>>)
    tpu.wait_dma2 semaphore(%arg25 : memref<!tpu.dma_semaphore, #tpu.memory_space<semaphore_mem>>) src(%arg6 : memref<8x8xi32, #tpu.memory_space<hbm>>) dst(%arg11 : memref<8x8xi32, #tpu.memory_space<vmem>>)
    tpu.wait_dma2 semaphore(%arg25 : memref<!tpu.dma_semaphore, #tpu.memory_space<semaphore_mem>>) src(%arg7 : memref<8x8xf32, #tpu.memory_space<hbm>>) dst(%arg12 : memref<8x8xf32, #tpu.memory_space<vmem>>)
    tpu.wait_dma2 semaphore(%arg25 : memref<!tpu.dma_semaphore, #tpu.memory_space<semaphore_mem>>) src(%arg8 : memref<1xf32, #tpu.memory_space<hbm>>) dst(%arg13 : memref<1xf32, #tpu.memory_space<vmem>>)
    %iota3A = tpu.iota {dimensions = array<i32: 0>} : vector<16xi32>
    %and3A = arith.constant 0 : i32
    %and3A_12 = vector.broadcast %and3A : i32 to vector<16xi32>
    %and3A_13 = arith.andi %iota3A, %and3A_12 : vector<16xi32>
    %gather3A = tpu.vector_load_idx %arg13[%and3A_13] : memref<1xf32, #tpu.memory_space<vmem>>[vector<16xi32>], vector<16xf32>,
    %neg3A = arith.constant 0.000000e+00 : f32
    %neg3A_14 = vector.broadcast %neg3A : f32 to vector<16xf32>
    %neg3A_15 = arith.subf %neg3A_14, %gather3A : vector<16xf32>
    %convert_element_type3A = arith.sitofp %iota3A : vector<16xi32> to vector<16xf32>
    %mul3A_16 = arith.mulf %neg3A_15, %convert_element_type3A : vector<16xf32>
    %exp3A = math.exp %mul3A_16 : vector<16xf32>
    %mul3A_17 = arith.mulf %gather3A, %exp3A : vector<16xf32>
    %swap3A = arith.constant 0 : index
    %swap3A_18 = tpu.vector_load %arg14[%swap3A] {strides = array<i32>} : memref<16xf32, #tpu.memory_space<vmem>>, vector<16xf32>,
    tpu.vector_store %arg14[%swap3A], %mul3A_17 {strides = array<i32>} : memref<16xf32, #tpu.memory_space<vmem>>, vector<16xf32>,
    %broadcast_in_dim3A = arith.constant 0.000000e+00 : f32
    %broadcast_in_dim3A_19 = vector.broadcast %broadcast_in_dim3A : f32 to vector<16xf32>
    %parallel_loop3A = arith.constant 0 : i32
    %parallel_loop3A_20 = arith.constant 256 : i32
    %parallel_loop3A_21 = arith.constant 1 : i32
    scf.for %parallel_loop3A_42 = %parallel_loop3A to %parallel_loop3A_20 step %parallel_loop3A_21  : i32 {
      %parallel_loop3A_43 = arith.constant 16 : i32
      %parallel_loop3A_44 = arith.muli %parallel_loop3A_42, %parallel_loop3A_43 : i32
      %parallel_loop3A_45 = arith.index_cast %parallel_loop3A_44 : i32 to index
      %parallel_loop3A_46 = tpu.vector_load %arg10[%parallel_loop3A_45] {strides = array<i32>} : memref<4096xf32, #tpu.memory_space<vmem>>, vector<16xf32>,
      tpu.vector_store %arg10[%parallel_loop3A_45], %broadcast_in_dim3A_19 {strides = array<i32>} : memref<4096xf32, #tpu.memory_space<vmem>>, vector<16xf32>,
    } {sc.loop_unroll_factor = 8 : i64, sc.parallel_access}
    %parallel_loop3A_22 = arith.constant 0 : i32
    %parallel_loop3A_23 = arith.constant 32 : i32
    %parallel_loop3A_24 = arith.constant 1 : i32
    scf.for %parallel_loop3A_42 = %parallel_loop3A_22 to %parallel_loop3A_23 step %parallel_loop3A_24  : i32 {
      %parallel_loop3A_43 = arith.constant 16 : i32
      %parallel_loop3A_44 = arith.muli %parallel_loop3A_42, %parallel_loop3A_43 : i32
      %parallel_loop3A_45 = vector.broadcast %parallel_loop3A_44 : i32 to vector<16xi32>
      %parallel_loop3A_46 = arith.addi %parallel_loop3A_45, %iota3A : vector<16xi32>
      %parallel_loop3A_47 = arith.constant 6 : i32
      %parallel_loop3A_48 = vector.broadcast %parallel_loop3A_47 : i32 to vector<16xi32>
      %parallel_loop3A_49 = arith.shrsi %parallel_loop3A_46, %parallel_loop3A_48 : vector<16xi32>
      %parallel_loop3A_50 = arith.constant 3 : i32
      %parallel_loop3A_51 = vector.broadcast %parallel_loop3A_50 : i32 to vector<16xi32>
      %parallel_loop3A_52 = arith.shrsi %parallel_loop3A_46, %parallel_loop3A_51 : vector<16xi32>
      %parallel_loop3A_53 = arith.constant 7 : i32
      %parallel_loop3A_54 = vector.broadcast %parallel_loop3A_53 : i32 to vector<16xi32>
      %parallel_loop3A_55 = arith.andi %parallel_loop3A_52, %parallel_loop3A_54 : vector<16xi32>
      %parallel_loop3A_56 = arith.constant 7 : i32
      %parallel_loop3A_57 = vector.broadcast %parallel_loop3A_56 : i32 to vector<16xi32>
      %parallel_loop3A_58 = arith.andi %parallel_loop3A_46, %parallel_loop3A_57 : vector<16xi32>
      %parallel_loop3A_59 = tpu.vector_load_idx %arg11[%parallel_loop3A_49, %parallel_loop3A_55] : memref<8x8xi32, #tpu.memory_space<vmem>>[vector<16xi32>, vector<16xi32>], vector<16xi32>,
      %parallel_loop3A_60 = arith.sitofp %parallel_loop3A_59 : vector<16xi32> to vector<16xf32>
      %parallel_loop3A_61 = tpu.vector_load_idx %arg12[%parallel_loop3A_55, %parallel_loop3A_55] : memref<8x8xf32, #tpu.memory_space<vmem>>[vector<16xi32>, vector<16xi32>], vector<16xf32>,
      %parallel_loop3A_62 = arith.subi %parallel_loop3A_58, %parallel_loop3A_49 : vector<16xi32>
      %parallel_loop3A_63 = math.absi %parallel_loop3A_62 : vector<16xi32>
      %parallel_loop3A_64 = tpu.vector_load_idx %arg14[%parallel_loop3A_63] : memref<16xf32, #tpu.memory_space<vmem>>[vector<16xi32>], vector<16xf32>,
      %parallel_loop3A_65 = arith.constant 8 : i32
      %parallel_loop3A_66 = vector.broadcast %parallel_loop3A_65 : i32 to vector<16xi32>
      %parallel_loop3A_67 = arith.muli %parallel_loop3A_46, %parallel_loop3A_66 : vector<16xi32>
      %parallel_loop3A_68 = arith.addi %parallel_loop3A_67, %parallel_loop3A_55 : vector<16xi32>
      %parallel_loop3A_69 = arith.mulf %parallel_loop3A_61, %parallel_loop3A_60 : vector<16xf32>
      %parallel_loop3A_70 = arith.mulf %parallel_loop3A_69, %parallel_loop3A_64 : vector<16xf32>
      tpu.vector_store_idx %arg10[%parallel_loop3A_68], %parallel_loop3A_70 : memref<4096xf32, #tpu.memory_space<vmem>>[vector<16xi32>], vector<16xf32>,
    } {sc.loop_unroll_factor = 4 : i64, sc.parallel_access}
    %scan3A = arith.constant 0 : i32
    %scan3A_25 = arith.constant 0 : i32
    %scan3A_26 = arith.constant 2 : i32
    %scan3A_27 = arith.addi %scan3A_25, %scan3A_26 : i32
    %scan3A_28 = arith.constant 1 : i32
    %scan3A_29 = scf.for %scan3A_42 = %scan3A_25 to %scan3A_27 step %scan3A_28 iter_args(%scan3A_43 = %scan3A) -> (i32)  : i32 {
      %mul3A_44 = arith.constant 2 : i32
      %mul3A_45 = arith.muli %mul3A_44, %scan3A_42 : i32
      %add3A_46 = arith.constant 1 : i32
      %add3A_47 = arith.addi %mul3A_45, %add3A_46 : i32
      %mul3A_48 = arith.constant 32768 : i32
      %mul3A_49 = arith.muli %add3A, %mul3A_48 : i32
      %mul3A_50 = arith.constant 8192 : i32
      %mul3A_51 = arith.muli %add3A_47, %mul3A_50 : i32
      %add3A_52 = arith.addi %mul3A_49, %mul3A_51 : i32
      %dma_start3A_53 = tpu.memref_slice %arg2[%add3A_52] : memref<1048576xi32, #tpu.memory_space<hbm>> -> memref<8192xi32, #tpu.memory_space<hbm>>
      %dma_start3A_54 = tpu.memref_slice %arg2[%add3A_52] : memref<1048576xi32, #tpu.memory_space<hbm>> -> memref<8192xi32, #tpu.memory_space<hbm>>
      tpu.enqueue_dma source(%dma_start3A_54 : memref<8192xi32, #tpu.memory_space<hbm>>) target(%arg19 : memref<8192xi32, #tpu.memory_space<vmem>>) target_semaphore(%arg27 : memref<!tpu.dma_semaphore, #tpu.memory_space<semaphore_mem>>)
      %dma_start3A_55 = tpu.memref_slice %arg3[%add3A_52] : memref<1048576xi32, #tpu.memory_space<hbm>> -> memref<8192xi32, #tpu.memory_space<hbm>>
      %dma_start3A_56 = tpu.memref_slice %arg3[%add3A_52] : memref<1048576xi32, #tpu.memory_space<hbm>> -> memref<8192xi32, #tpu.memory_space<hbm>>
      tpu.enqueue_dma source(%dma_start3A_56 : memref<8192xi32, #tpu.memory_space<hbm>>) target(%arg20 : memref<8192xi32, #tpu.memory_space<vmem>>) target_semaphore(%arg27 : memref<!tpu.dma_semaphore, #tpu.memory_space<semaphore_mem>>)
      %dma_start3A_57 = tpu.memref_slice %arg4[%add3A_52] : memref<1048576xi32, #tpu.memory_space<hbm>> -> memref<8192xi32, #tpu.memory_space<hbm>>
      %dma_start3A_58 = tpu.memref_slice %arg4[%add3A_52] : memref<1048576xi32, #tpu.memory_space<hbm>> -> memref<8192xi32, #tpu.memory_space<hbm>>
      tpu.enqueue_dma source(%dma_start3A_58 : memref<8192xi32, #tpu.memory_space<hbm>>) target(%arg21 : memref<8192xi32, #tpu.memory_space<vmem>>) target_semaphore(%arg27 : memref<!tpu.dma_semaphore, #tpu.memory_space<semaphore_mem>>)
      %dma_start3A_59 = tpu.memref_slice %arg5[%add3A_52] : memref<1048576xi32, #tpu.memory_space<hbm>> -> memref<8192xi32, #tpu.memory_space<hbm>>
      %dma_start3A_60 = tpu.memref_slice %arg5[%add3A_52] : memref<1048576xi32, #tpu.memory_space<hbm>> -> memref<8192xi32, #tpu.memory_space<hbm>>
      tpu.enqueue_dma source(%dma_start3A_60 : memref<8192xi32, #tpu.memory_space<hbm>>) target(%arg22 : memref<8192xi32, #tpu.memory_space<vmem>>) target_semaphore(%arg27 : memref<!tpu.dma_semaphore, #tpu.memory_space<semaphore_mem>>)
      %gt3A = arith.constant 0 : i32
      %gt3A_61 = arith.cmpi sgt, %scan3A_42, %gt3A : i32
      %mul3A_62 = arith.constant 32768 : i32
      %mul3A_63 = arith.muli %add3A, %mul3A_62 : i32
      %mul3A_64 = arith.constant 8192 : i32
      %mul3A_65 = arith.muli %mul3A_45, %mul3A_64 : i32
      %add3A_66 = arith.addi %mul3A_63, %mul3A_65 : i32
      %dma_wait3A_67 = tpu.memref_slice %arg2[%add3A_66] : memref<1048576xi32, #tpu.memory_space<hbm>> -> memref<8192xi32, #tpu.memory_space<hbm>>
      %dma_wait3A_68 = tpu.memref_slice %arg2[%add3A_66] : memref<1048576xi32, #tpu.memory_space<hbm>> -> memref<8192xi32, #tpu.memory_space<hbm>>
      tpu.wait_dma2 semaphore(%arg26 : memref<!tpu.dma_semaphore, #tpu.memory_space<semaphore_mem>>) src(%dma_wait3A_68 : memref<8192xi32, #tpu.memory_space<hbm>>) dst(%arg15 : memref<8192xi32, #tpu.memory_space<vmem>>)
      %dma_wait3A_69 = tpu.memref_slice %arg3[%add3A_66] : memref<1048576xi32, #tpu.memory_space<hbm>> -> memref<8192xi32, #tpu.memory_space<hbm>>
      %dma_wait3A_70 = tpu.memref_slice %arg3[%add3A_66] : memref<1048576xi32, #tpu.memory_space<hbm>> -> memref<8192xi32, #tpu.memory_space<hbm>>
      tpu.wait_dma2 semaphore(%arg26 : memref<!tpu.dma_semaphore, #tpu.memory_space<semaphore_mem>>) src(%dma_wait3A_70 : memref<8192xi32, #tpu.memory_space<hbm>>) dst(%arg16 : memref<8192xi32, #tpu.memory_space<vmem>>)
      %dma_wait3A_71 = tpu.memref_slice %arg4[%add3A_66] : memref<1048576xi32, #tpu.memory_space<hbm>> -> memref<8192xi32, #tpu.memory_space<hbm>>
      %dma_wait3A_72 = tpu.memref_slice %arg4[%add3A_66] : memref<1048576xi32, #tpu.memory_space<hbm>> -> memref<8192xi32, #tpu.memory_space<hbm>>
      tpu.wait_dma2 semaphore(%arg26 : memref<!tpu.dma_semaphore, #tpu.memory_space<semaphore_mem>>) src(%dma_wait3A_72 : memref<8192xi32, #tpu.memory_space<hbm>>) dst(%arg17 : memref<8192xi32, #tpu.memory_space<vmem>>)
      %dma_wait3A_73 = tpu.memref_slice %arg5[%add3A_66] : memref<1048576xi32, #tpu.memory_space<hbm>> -> memref<8192xi32, #tpu.memory_space<hbm>>
      %dma_wait3A_74 = tpu.memref_slice %arg5[%add3A_66] : memref<1048576xi32, #tpu.memory_space<hbm>> -> memref<8192xi32, #tpu.memory_space<hbm>>
      tpu.wait_dma2 semaphore(%arg26 : memref<!tpu.dma_semaphore, #tpu.memory_space<semaphore_mem>>) src(%dma_wait3A_74 : memref<8192xi32, #tpu.memory_space<hbm>>) dst(%arg18 : memref<8192xi32, #tpu.memory_space<vmem>>)
      %mul3A_75 = arith.constant 32768 : i32
      %mul3A_76 = arith.muli %add3A, %mul3A_75 : i32
      %convert_element_type3A_77 = arith.extui %gt3A_61 : i1 to i32
      %cond3A = arith.constant 0 : i32
      %cond3A_78 = arith.cmpi ne, %convert_element_type3A_77, %cond3A : i32
      scf.if %cond3A_78 {
        %dma_wait3A_128 = tpu.memref_slice %arg9[%mul3A_76] : memref<1048576xf32, #tpu.memory_space<hbm>> -> memref<8192xf32, #tpu.memory_space<hbm>>
        %dma_wait3A_129 = tpu.memref_slice %arg9[%mul3A_76] : memref<1048576xf32, #tpu.memory_space<hbm>> -> memref<8192xf32, #tpu.memory_space<hbm>>
        tpu.wait_dma2 semaphore(%arg28 : memref<!tpu.dma_semaphore, #tpu.memory_space<semaphore_mem>>) src(%dma_wait3A_129 : memref<8192xf32, #tpu.memory_space<hbm>>) dst(%arg23 : memref<8192xf32, #tpu.memory_space<vmem>>)
      } else {
      }
      %parallel_loop3A_79 = arith.constant 0 : i32
      %parallel_loop3A_80 = arith.constant 512 : i32
      %parallel_loop3A_81 = arith.constant 1 : i32
      scf.for %parallel_loop3A_128 = %parallel_loop3A_79 to %parallel_loop3A_80 step %parallel_loop3A_81  : i32 {
        %parallel_loop3A_129 = arith.constant 16 : i32
        %parallel_loop3A_130 = arith.muli %parallel_loop3A_128, %parallel_loop3A_129 : i32
        %parallel_loop3A_131 = arith.index_cast %parallel_loop3A_130 : i32 to index
        %parallel_loop3A_132 = tpu.vector_load %arg15[%parallel_loop3A_131] {strides = array<i32>} : memref<8192xi32, #tpu.memory_space<vmem>>, vector<16xi32>,
        %parallel_loop3A_133 = arith.constant 8 : i32
        %parallel_loop3A_134 = vector.broadcast %parallel_loop3A_133 : i32 to vector<16xi32>
        %parallel_loop3A_135 = arith.muli %parallel_loop3A_132, %parallel_loop3A_134 : vector<16xi32>
        %parallel_loop3A_136 = arith.index_cast %parallel_loop3A_130 : i32 to index
        %parallel_loop3A_137 = tpu.vector_load %arg16[%parallel_loop3A_136] {strides = array<i32>} : memref<8192xi32, #tpu.memory_space<vmem>>, vector<16xi32>,
        %parallel_loop3A_138 = arith.addi %parallel_loop3A_135, %parallel_loop3A_137 : vector<16xi32>
        %parallel_loop3A_139 = arith.constant 8 : i32
        %parallel_loop3A_140 = vector.broadcast %parallel_loop3A_139 : i32 to vector<16xi32>
        %parallel_loop3A_141 = arith.muli %parallel_loop3A_138, %parallel_loop3A_140 : vector<16xi32>
        %parallel_loop3A_142 = arith.index_cast %parallel_loop3A_130 : i32 to index
        %parallel_loop3A_143 = tpu.vector_load %arg17[%parallel_loop3A_142] {strides = array<i32>} : memref<8192xi32, #tpu.memory_space<vmem>>, vector<16xi32>,
        %parallel_loop3A_144 = arith.addi %parallel_loop3A_141, %parallel_loop3A_143 : vector<16xi32>
        %parallel_loop3A_145 = arith.constant 8 : i32
        %parallel_loop3A_146 = vector.broadcast %parallel_loop3A_145 : i32 to vector<16xi32>
        %parallel_loop3A_147 = arith.muli %parallel_loop3A_144, %parallel_loop3A_146 : vector<16xi32>
        %parallel_loop3A_148 = arith.index_cast %parallel_loop3A_130 : i32 to index
        %parallel_loop3A_149 = tpu.vector_load %arg18[%parallel_loop3A_148] {strides = array<i32>} : memref<8192xi32, #tpu.memory_space<vmem>>, vector<16xi32>,
        %parallel_loop3A_150 = arith.addi %parallel_loop3A_147, %parallel_loop3A_149 : vector<16xi32>
        %parallel_loop3A_151 = tpu.vector_load_idx %arg10[%parallel_loop3A_150] : memref<4096xf32, #tpu.memory_space<vmem>>[vector<16xi32>], vector<16xf32>,
        %parallel_loop3A_152 = arith.index_cast %parallel_loop3A_130 : i32 to index
        %parallel_loop3A_153 = tpu.vector_load %arg23[%parallel_loop3A_152] {strides = array<i32>} : memref<8192xf32, #tpu.memory_space<vmem>>, vector<16xf32>,
        tpu.vector_store %arg23[%parallel_loop3A_152], %parallel_loop3A_151 {strides = array<i32>} : memref<8192xf32, #tpu.memory_space<vmem>>, vector<16xf32>,
      } {sc.loop_unroll_factor = 8 : i64, sc.parallel_access}
      %mul3A_82 = arith.constant 32768 : i32
      %mul3A_83 = arith.muli %add3A, %mul3A_82 : i32
      %mul3A_84 = arith.constant 8192 : i32
      %mul3A_85 = arith.muli %mul3A_45, %mul3A_84 : i32
      %add3A_86 = arith.addi %mul3A_83, %mul3A_85 : i32
      %dma_start3A_87 = tpu.memref_slice %arg9[%add3A_86] : memref<1048576xf32, #tpu.memory_space<hbm>> -> memref<8192xf32, #tpu.memory_space<hbm>>
      %dma_start3A_88 = tpu.memref_slice %arg9[%add3A_86] : memref<1048576xf32, #tpu.memory_space<hbm>> -> memref<8192xf32, #tpu.memory_space<hbm>>
      tpu.enqueue_dma source(%arg23 : memref<8192xf32, #tpu.memory_space<vmem>>) target(%dma_start3A_88 : memref<8192xf32, #tpu.memory_space<hbm>>) target_semaphore(%arg28 : memref<!tpu.dma_semaphore, #tpu.memory_space<semaphore_mem>>)
      %add3A_89 = arith.constant 2 : i32
      %add3A_90 = arith.addi %mul3A_45, %add3A_89 : i32
      %lt3A = arith.constant 4 : i32
      %lt3A_91 = arith.cmpi slt, %add3A_90, %lt3A : i32
      %convert_element_type3A_92 = arith.extui %lt3A_91 : i1 to i32
      %cond3A_93 = arith.constant 0 : i32
      %cond3A_94 = arith.cmpi ne, %convert_element_type3A_92, %cond3A_93 : i32
      scf.if %cond3A_94 {
        %add3A_128 = arith.constant 2 : i32
        %add3A_129 = arith.addi %mul3A_45, %add3A_128 : i32
        %mul3A_130 = arith.constant 32768 : i32
        %mul3A_131 = arith.muli %add3A, %mul3A_130 : i32
        %mul3A_132 = arith.constant 8192 : i32
        %mul3A_133 = arith.muli %add3A_129, %mul3A_132 : i32
        %add3A_134 = arith.addi %mul3A_131, %mul3A_133 : i32
        %dma_start3A_135 = tpu.memref_slice %arg2[%add3A_134] : memref<1048576xi32, #tpu.memory_space<hbm>> -> memref<8192xi32, #tpu.memory_space<hbm>>
        %dma_start3A_136 = tpu.memref_slice %arg2[%add3A_134] : memref<1048576xi32, #tpu.memory_space<hbm>> -> memref<8192xi32, #tpu.memory_space<hbm>>
        tpu.enqueue_dma source(%dma_start3A_136 : memref<8192xi32, #tpu.memory_space<hbm>>) target(%arg15 : memref<8192xi32, #tpu.memory_space<vmem>>) target_semaphore(%arg26 : memref<!tpu.dma_semaphore, #tpu.memory_space<semaphore_mem>>)
        %dma_start3A_137 = tpu.memref_slice %arg3[%add3A_134] : memref<1048576xi32, #tpu.memory_space<hbm>> -> memref<8192xi32, #tpu.memory_space<hbm>>
        %dma_start3A_138 = tpu.memref_slice %arg3[%add3A_134] : memref<1048576xi32, #tpu.memory_space<hbm>> -> memref<8192xi32, #tpu.memory_space<hbm>>
        tpu.enqueue_dma source(%dma_start3A_138 : memref<8192xi32, #tpu.memory_space<hbm>>) target(%arg16 : memref<8192xi32, #tpu.memory_space<vmem>>) target_semaphore(%arg26 : memref<!tpu.dma_semaphore, #tpu.memory_space<semaphore_mem>>)
        %dma_start3A_139 = tpu.memref_slice %arg4[%add3A_134] : memref<1048576xi32, #tpu.memory_space<hbm>> -> memref<8192xi32, #tpu.memory_space<hbm>>
        %dma_start3A_140 = tpu.memref_slice %arg4[%add3A_134] : memref<1048576xi32, #tpu.memory_space<hbm>> -> memref<8192xi32, #tpu.memory_space<hbm>>
        tpu.enqueue_dma source(%dma_start3A_140 : memref<8192xi32, #tpu.memory_space<hbm>>) target(%arg17 : memref<8192xi32, #tpu.memory_space<vmem>>) target_semaphore(%arg26 : memref<!tpu.dma_semaphore, #tpu.memory_space<semaphore_mem>>)
        %dma_start3A_141 = tpu.memref_slice %arg5[%add3A_134] : memref<1048576xi32, #tpu.memory_space<hbm>> -> memref<8192xi32, #tpu.memory_space<hbm>>
        %dma_start3A_142 = tpu.memref_slice %arg5[%add3A_134] : memref<1048576xi32, #tpu.memory_space<hbm>> -> memref<8192xi32, #tpu.memory_space<hbm>>
        tpu.enqueue_dma source(%dma_start3A_142 : memref<8192xi32, #tpu.memory_space<hbm>>) target(%arg18 : memref<8192xi32, #tpu.memory_space<vmem>>) target_semaphore(%arg26 : memref<!tpu.dma_semaphore, #tpu.memory_space<semaphore_mem>>)
      } else {
      }
      %add3A_95 = arith.constant 1 : i32
      %add3A_96 = arith.addi %mul3A_45, %add3A_95 : i32
      %gt3A_97 = arith.constant 0 : i32
      %gt3A_98 = arith.cmpi sgt, %scan3A_42, %gt3A_97 : i32
      %mul3A_99 = arith.constant 32768 : i32
      %mul3A_100 = arith.muli %add3A, %mul3A_99 : i32
      %mul3A_101 = arith.constant 8192 : i32
      %mul3A_102 = arith.muli %add3A_96, %mul3A_101 : i32
      %add3A_103 = arith.addi %mul3A_100, %mul3A_102 : i32
      %dma_wait3A_104 = tpu.memref_slice %arg2[%add3A_103] : memref<1048576xi32, #tpu.memory_space<hbm>> -> memref<8192xi32, #tpu.memory_space<hbm>>
      %dma_wait3A_105 = tpu.memref_slice %arg2[%add3A_103] : memref<1048576xi32, #tpu.memory_space<hbm>> -> memref<8192xi32, #tpu.memory_space<hbm>>
      tpu.wait_dma2 semaphore(%arg27 : memref<!tpu.dma_semaphore, #tpu.memory_space<semaphore_mem>>) src(%dma_wait3A_105 : memref<8192xi32, #tpu.memory_space<hbm>>) dst(%arg19 : memref<8192xi32, #tpu.memory_space<vmem>>)
      %dma_wait3A_106 = tpu.memref_slice %arg3[%add3A_103] : memref<1048576xi32, #tpu.memory_space<hbm>> -> memref<8192xi32, #tpu.memory_space<hbm>>
      %dma_wait3A_107 = tpu.memref_slice %arg3[%add3A_103] : memref<1048576xi32, #tpu.memory_space<hbm>> -> memref<8192xi32, #tpu.memory_space<hbm>>
      tpu.wait_dma2 semaphore(%arg27 : memref<!tpu.dma_semaphore, #tpu.memory_space<semaphore_mem>>) src(%dma_wait3A_107 : memref<8192xi32, #tpu.memory_space<hbm>>) dst(%arg20 : memref<8192xi32, #tpu.memory_space<vmem>>)
      %dma_wait3A_108 = tpu.memref_slice %arg4[%add3A_103] : memref<1048576xi32, #tpu.memory_space<hbm>> -> memref<8192xi32, #tpu.memory_space<hbm>>
      %dma_wait3A_109 = tpu.memref_slice %arg4[%add3A_103] : memref<1048576xi32, #tpu.memory_space<hbm>> -> memref<8192xi32, #tpu.memory_space<hbm>>
      tpu.wait_dma2 semaphore(%arg27 : memref<!tpu.dma_semaphore, #tpu.memory_space<semaphore_mem>>) src(%dma_wait3A_109 : memref<8192xi32, #tpu.memory_space<hbm>>) dst(%arg21 : memref<8192xi32, #tpu.memory_space<vmem>>)
      %dma_wait3A_110 = tpu.memref_slice %arg5[%add3A_103] : memref<1048576xi32, #tpu.memory_space<hbm>> -> memref<8192xi32, #tpu.memory_space<hbm>>
      %dma_wait3A_111 = tpu.memref_slice %arg5[%add3A_103] : memref<1048576xi32, #tpu.memory_space<hbm>> -> memref<8192xi32, #tpu.memory_space<hbm>>
      tpu.wait_dma2 semaphore(%arg27 : memref<!tpu.dma_semaphore, #tpu.memory_space<semaphore_mem>>) src(%dma_wait3A_111 : memref<8192xi32, #tpu.memory_space<hbm>>) dst(%arg22 : memref<8192xi32, #tpu.memory_space<vmem>>)
      %mul3A_112 = arith.constant 32768 : i32
      %mul3A_113 = arith.muli %add3A, %mul3A_112 : i32
      %convert_element_type3A_114 = arith.extui %gt3A_98 : i1 to i32
      %cond3A_115 = arith.constant 0 : i32
      %cond3A_116 = arith.cmpi ne, %convert_element_type3A_114, %cond3A_115 : i32
      scf.if %cond3A_116 {
        %dma_wait3A_128 = tpu.memref_slice %arg9[%mul3A_113] : memref<1048576xf32, #tpu.memory_space<hbm>> -> memref<8192xf32, #tpu.memory_space<hbm>>
        %dma_wait3A_129 = tpu.memref_slice %arg9[%mul3A_113] : memref<1048576xf32, #tpu.memory_space<hbm>> -> memref<8192xf32, #tpu.memory_space<hbm>>
        tpu.wait_dma2 semaphore(%arg29 : memref<!tpu.dma_semaphore, #tpu.memory_space<semaphore_mem>>) src(%dma_wait3A_129 : memref<8192xf32, #tpu.memory_space<hbm>>) dst(%arg24 : memref<8192xf32, #tpu.memory_space<vmem>>)
      } else {
      }
      %parallel_loop3A_117 = arith.constant 0 : i32
      %parallel_loop3A_118 = arith.constant 512 : i32
      %parallel_loop3A_119 = arith.constant 1 : i32
      scf.for %parallel_loop3A_128 = %parallel_loop3A_117 to %parallel_loop3A_118 step %parallel_loop3A_119  : i32 {
        %parallel_loop3A_129 = arith.constant 16 : i32
        %parallel_loop3A_130 = arith.muli %parallel_loop3A_128, %parallel_loop3A_129 : i32
        %parallel_loop3A_131 = arith.index_cast %parallel_loop3A_130 : i32 to index
        %parallel_loop3A_132 = tpu.vector_load %arg19[%parallel_loop3A_131] {strides = array<i32>} : memref<8192xi32, #tpu.memory_space<vmem>>, vector<16xi32>,
        %parallel_loop3A_133 = arith.constant 8 : i32
        %parallel_loop3A_134 = vector.broadcast %parallel_loop3A_133 : i32 to vector<16xi32>
        %parallel_loop3A_135 = arith.muli %parallel_loop3A_132, %parallel_loop3A_134 : vector<16xi32>
        %parallel_loop3A_136 = arith.index_cast %parallel_loop3A_130 : i32 to index
        %parallel_loop3A_137 = tpu.vector_load %arg20[%parallel_loop3A_136] {strides = array<i32>} : memref<8192xi32, #tpu.memory_space<vmem>>, vector<16xi32>,
        %parallel_loop3A_138 = arith.addi %parallel_loop3A_135, %parallel_loop3A_137 : vector<16xi32>
        %parallel_loop3A_139 = arith.constant 8 : i32
        %parallel_loop3A_140 = vector.broadcast %parallel_loop3A_139 : i32 to vector<16xi32>
        %parallel_loop3A_141 = arith.muli %parallel_loop3A_138, %parallel_loop3A_140 : vector<16xi32>
        %parallel_loop3A_142 = arith.index_cast %parallel_loop3A_130 : i32 to index
        %parallel_loop3A_143 = tpu.vector_load %arg21[%parallel_loop3A_142] {strides = array<i32>} : memref<8192xi32, #tpu.memory_space<vmem>>, vector<16xi32>,
        %parallel_loop3A_144 = arith.addi %parallel_loop3A_141, %parallel_loop3A_143 : vector<16xi32>
        %parallel_loop3A_145 = arith.constant 8 : i32
        %parallel_loop3A_146 = vector.broadcast %parallel_loop3A_145 : i32 to vector<16xi32>
        %parallel_loop3A_147 = arith.muli %parallel_loop3A_144, %parallel_loop3A_146 : vector<16xi32>
        %parallel_loop3A_148 = arith.index_cast %parallel_loop3A_130 : i32 to index
        %parallel_loop3A_149 = tpu.vector_load %arg22[%parallel_loop3A_148] {strides = array<i32>} : memref<8192xi32, #tpu.memory_space<vmem>>, vector<16xi32>,
        %parallel_loop3A_150 = arith.addi %parallel_loop3A_147, %parallel_loop3A_149 : vector<16xi32>
        %parallel_loop3A_151 = tpu.vector_load_idx %arg10[%parallel_loop3A_150] : memref<4096xf32, #tpu.memory_space<vmem>>[vector<16xi32>], vector<16xf32>,
        %parallel_loop3A_152 = arith.index_cast %parallel_loop3A_130 : i32 to index
        %parallel_loop3A_153 = tpu.vector_load %arg24[%parallel_loop3A_152] {strides = array<i32>} : memref<8192xf32, #tpu.memory_space<vmem>>, vector<16xf32>,
        tpu.vector_store %arg24[%parallel_loop3A_152], %parallel_loop3A_151 {strides = array<i32>} : memref<8192xf32, #tpu.memory_space<vmem>>, vector<16xf32>,
      } {sc.loop_unroll_factor = 8 : i64, sc.parallel_access}
      %mul3A_120 = arith.constant 32768 : i32
      %mul3A_121 = arith.muli %add3A, %mul3A_120 : i32
      %mul3A_122 = arith.constant 8192 : i32
      %mul3A_123 = arith.muli %add3A_96, %mul3A_122 : i32
      %add3A_124 = arith.addi %mul3A_121, %mul3A_123 : i32
      %dma_start3A_125 = tpu.memref_slice %arg9[%add3A_124] : memref<1048576xf32, #tpu.memory_space<hbm>> -> memref<8192xf32, #tpu.memory_space<hbm>>
      %dma_start3A_126 = tpu.memref_slice %arg9[%add3A_124] : memref<1048576xf32, #tpu.memory_space<hbm>> -> memref<8192xf32, #tpu.memory_space<hbm>>
      tpu.enqueue_dma source(%arg24 : memref<8192xf32, #tpu.memory_space<vmem>>) target(%dma_start3A_126 : memref<8192xf32, #tpu.memory_space<hbm>>) target_semaphore(%arg29 : memref<!tpu.dma_semaphore, #tpu.memory_space<semaphore_mem>>)
      %scan3A_127 = arith.constant 0 : i32
      scf.yield %scan3A_127 : i32
    }
    %scan3A_30 = arith.constant 2 : i32
    %mul3A_31 = arith.constant 32768 : i32
    %mul3A_32 = arith.muli %add3A, %mul3A_31 : i32
    %add3A_33 = arith.constant 16384 : i32
    %add3A_34 = arith.addi %mul3A_32, %add3A_33 : i32
    %dma_wait3A = tpu.memref_slice %arg9[%add3A_34] : memref<1048576xf32, #tpu.memory_space<hbm>> -> memref<8192xf32, #tpu.memory_space<hbm>>
    %dma_wait3A_35 = tpu.memref_slice %arg9[%add3A_34] : memref<1048576xf32, #tpu.memory_space<hbm>> -> memref<8192xf32, #tpu.memory_space<hbm>>
    tpu.wait_dma2 semaphore(%arg28 : memref<!tpu.dma_semaphore, #tpu.memory_space<semaphore_mem>>) src(%arg23 : memref<8192xf32, #tpu.memory_space<vmem>>) dst(%dma_wait3A_35 : memref<8192xf32, #tpu.memory_space<hbm>>)
    %mul3A_36 = arith.constant 32768 : i32
    %mul3A_37 = arith.muli %add3A, %mul3A_36 : i32
    %add3A_38 = arith.constant 24576 : i32
    %add3A_39 = arith.addi %mul3A_37, %add3A_38 : i32
    %dma_wait3A_40 = tpu.memref_slice %arg9[%add3A_39] : memref<1048576xf32, #tpu.memory_space<hbm>> -> memref<8192xf32, #tpu.memory_space<hbm>>
    %dma_wait3A_41 = tpu.memref_slice %arg9[%add3A_39] : memref<1048576xf32, #tpu.memory_space<hbm>> -> memref<8192xf32, #tpu.memory_space<hbm>>
    tpu.wait_dma2 semaphore(%arg29 : memref<!tpu.dma_semaphore, #tpu.memory_space<semaphore_mem>>) src(%arg24 : memref<8192xf32, #tpu.memory_space<vmem>>) dst(%dma_wait3A_41 : memref<8192xf32, #tpu.memory_space<hbm>>)
    return
  }
}

</mosaic_0001>

<sc_bundles>
// kernel: kernel.3.cloned.1.call-start
scs
__scs_entry_jumppad:
0x0: {  	(pc) =	sbr.rel $0x88, $3  }
0x1: {  	(tag) =	ssettag $0x0;
	lr =	simm.s32 $0x1  }
0x2: {  	[smem:$0x3F9A] =	sst lr;
	_ =	strace $0xD0000000  }
0x3: {  	_ = 	snop  }
0x4: {  	_ = 	snop  }
0x5: {  	_ = 	snop  }
0x6: {  	_ = 	snop  }
0x7: {  	_ = 	snop  }
__scs_overlays_trampoline_lowered:
0x8: {  	[smem:$0x3FA9] =	sst s0  }
0x9: {  	[smem:$0x3FAA] =	sst s1  }
0xa: {  	[smem:$0x3FAB] =	sst s2  }
0xb: {  	[smem:$0x3FAC] =	sst s3  }
0xc: {  	[smem:$0x3FAD] =	sst s4  }
0xd: {  	[smem:$0x3FAE] =	sst s5  }
0xe: {  	[smem:$0x3FAF] =	sst s6  }
0xf: {  	[smem:$0x3FB0] =	sst s7  }
0x10: {  	[smem:$0x3FB1] =	sst s8  }
0x11: {  	[smem:$0x3FB2] =	sst s9;
	s0 =	simm.s32 @!p0 $0x0  }
0x12: {  	s1 =	sld [smem:$0x3F98];
	s0 =	simm.s32 @p0 $0x1  }
0x13: {  	[smem:$0x3FB3] =	sst s0;
	s0 =	simm.s32 @!p1 $0x0  }
0x14: {  	s2 =	sld [smem:$0x3F97];
	s0 =	simm.s32 @p1 $0x1  }
0x15: {  	[smem:$0x3FB4] =	sst s0;
	s0 =	simm.s32 @!p2 $0x0  }
0x16: {  	s3 =	sld [smem:$0x3FDB];
	s0 =	simm.s32 @p2 $0x1  }
0x17: {  	s4 =	simm.s32 $0x1BF5;
	[smem:$0x3FB6] =	sst s0  }
0x18: {  	s0 =	sld [smem:$0x3F99];
	_ =	swait.ge [sflag:s4], $0x0  }
0x19: {  	s7 =	sld [smem:$0x3F9A]  }
0x1a: {  	s8 =	sadd.s32 $0xFFFFE003, lr  }
0x1b: {  	s9 =	sadd.s32 $0xFFFFFEF7, lr;
	s5 =	simm.s32 $0xFFFFFFFF;
	p2 =	slt.u32 s8, $0xFFFFF086  }
0x1c: {  	p1 =	slt.u32 s9, $0xF7A;
	s5 =	simm.s32 @!p2 $0x0  }
0x1d: {  	s5 =	simm.s32 @p1 $0x1;
	p0 =	seq.s32 s7, s2  }
0x1e: {  	s7 =	smul.u32 @!p0 $0xF7A, s2;
	p2 =	seq.s32 @!p0 s5, $0x0  }
0x1f: {  	s9 =	smul.u32 $0xF7A, s1;
	s8 =	simm.s32 @!p0 $0x1BF5;
	p2 =	por !p2, p0  }
0x20: {  	[sflag:s8] =	ssyncset.s32 @!p0 $0xFFFFF086;
	s6 =	sadd.s32 @!p0 s3, s7;
	s7 =	simm.s32 @!p0 $0x108  }
0x21: {  	s3 =	sadd.s32 s3, s9;
	s6 =	sadd.s32 @!p0 $0x88, s6;
	s7 =	simm.s32 @p2 $0x1082  }
0x22: {  	[simem:s7], [sflag:s8] =	dma.local @!p0 [hbm:s6], $0xF7A  }
0x23: {  	s9 =	sor.u32 $0xD0000000, s2;
	s6 =	simm.s32 $0x108;
	_ =	swait.ge @!p0 [sflag:s8], $0x0  }
0x24: {  	s3 =	sadd.s32 $0x88, s3;
	s6 =	simm.s32 @!p1 $0x1082;
	[sflag:s4] =	ssyncset.s32 $0xFFFFF086  }
0x25: {  	[simem:s6], [sflag:s4] =	dma.local [hbm:s3], $0xF7A  }
0x26: {  	[smem:$0x3F9A] =	sst s1;
	(tag) =	ssettag s2;
	_ =	strace s9  }
0x27: {  	s1 =	sld [smem:$0x3FAA]  }
0x28: {  	s2 =	sld [smem:$0x3FAB]  }
0x29: {  	s4 =	sld [smem:$0x3FAD]  }
0x2a: {  	p0 =	seq.s32 s5, $0x0;
	s5 =	sld [smem:$0x3FAE]  }
0x2b: {  	s6 =	sld [smem:$0x3FAF]  }
0x2c: {  	s7 =	sld [smem:$0x3FB0]  }
0x2d: {  	s3 =	simm.s32 $0x108;
	s8 =	sld [smem:$0x3FB1]  }
0x2e: {  	s3 =	simm.s32 @!p0 $0x1082;
	s9 =	sld [smem:$0x3FB2]  }
0x2f: {  	lr =	sadd.s32 s0, s3;
	s0 =	sld [smem:$0x3FA9]  }
0x30: {  	s3 =	sld [smem:$0x3FAC]  }
0x31: {  	[smem:$0x3FB5] =	sst s10  }
0x32: {  	s10 =	sld [smem:$0x3FB3];
	_ =	sdelay $0x3  }
0x33: {  	p0 =	seq.s32 s10, $0x1;
	s10 =	sld [smem:$0x3FB5];
	_ =	sdelay $0x3  }
0x34: {  	[smem:$0x3FB5] =	sst s10  }
0x35: {  	s10 =	sld [smem:$0x3FB4];
	_ =	sdelay $0x3  }
0x36: {  	p1 =	seq.s32 s10, $0x1;
	s10 =	sld [smem:$0x3FB5];
	_ =	sdelay $0x3  }
0x37: {  	[smem:$0x3FB5] =	sst s10  }
0x38: {  	s10 =	sld [smem:$0x3FB6]  }
0x39: {  	_ = 	snop;
	(pc) =	sbr.ind lr, $3  }
0x3a: {  	_ = 	snop  }
0x3b: {  	_ = 	snop  }
0x3c: {  	p2 =	seq.s32 s10, $0x1;
	s10 =	sld [smem:$0x3FB5]  }
0x3d: {  	_ =	shalt  }
0x3e: {  	_ =	shalt  }
0x3f: {  	_ =	shalt  }
0x40: {  	_ =	shalt  }
0x41: {  	_ =	shalt  }
0x42: {  	_ =	shalt  }
0x43: {  	_ =	shalt  }
0x44: {  	_ =	shalt  }
0x45: {  	_ =	shalt  }
0x46: {  	_ =	shalt  }
0x47: {  	_ =	shalt  }
0x48: {  	_ =	shalt  }
0x49: {  	_ =	shalt  }
0x4a: {  	_ =	shalt  }
0x4b: {  	_ =	shalt  }
0x4c: {  	_ =	shalt  }
0x4d: {  	_ =	shalt  }
0x4e: {  	_ =	shalt  }
0x4f: {  	_ =	shalt  }
0x50: {  	_ =	shalt  }
0x51: {  	_ =	shalt  }
0x52: {  	_ =	shalt  }
0x53: {  	_ =	shalt  }
0x54: {  	_ =	shalt  }
0x55: {  	_ =	shalt  }
0x56: {  	_ =	shalt  }
0x57: {  	_ =	shalt  }
0x58: {  	_ =	shalt  }
0x59: {  	_ =	shalt  }
0x5a: {  	_ =	shalt  }
0x5b: {  	_ =	shalt  }
0x5c: {  	_ =	shalt  }
0x5d: {  	_ =	shalt  }
0x5e: {  	_ =	shalt  }
0x5f: {  	_ =	shalt  }
0x60: {  	_ =	shalt  }
0x61: {  	_ =	shalt  }
0x62: {  	_ =	shalt  }
0x63: {  	_ =	shalt  }
0x64: {  	_ =	shalt  }
0x65: {  	_ =	shalt  }
0x66: {  	_ =	shalt  }
0x67: {  	_ =	shalt  }
0x68: {  	_ =	shalt  }
0x69: {  	_ =	shalt  }
0x6a: {  	_ =	shalt  }
0x6b: {  	_ =	shalt  }
0x6c: {  	_ =	shalt  }
0x6d: {  	_ =	shalt  }
0x6e: {  	_ =	shalt  }
0x6f: {  	_ =	shalt  }
0x70: {  	_ =	shalt  }
0x71: {  	_ =	shalt  }
0x72: {  	_ =	shalt  }
0x73: {  	_ =	shalt  }
0x74: {  	_ =	shalt  }
0x75: {  	_ =	shalt  }
0x76: {  	_ =	shalt  }
0x77: {  	_ =	shalt  }
0x78: {  	_ =	shalt  }
0x79: {  	_ =	shalt  }
0x7a: {  	_ =	shalt  }
0x7b: {  	_ =	shalt  }
0x7c: {  	_ =	shalt  }
0x7d: {  	_ =	shalt  }
0x7e: {  	_ =	shalt  }
0x7f: {  	_ =	shalt  }
0x80: {  	_ =	shalt  }
0x81: {  	_ =	shalt  }
0x82: {  	_ =	shalt  }
0x83: {  	_ =	shalt  }
0x84: {  	_ =	shalt  }
0x85: {  	_ =	shalt  }
0x86: {  	_ =	shalt  }
0x87: {  	_ =	shalt  }
.Lfunc_end0:
.L_simem_size_0:
called_computation_lowered:
.L_overlay_start_0:
0x88: {  	s2 =	sld [smem:$0x3FD9]  }
0x89: {  	s3 =	sld [smem:$0x3FFE];
	_ =	sdelay $0x1  }
0x8a: {  	s1 =	srdreg.scid  }
0x8b: {  	s0 =	sand.u32 $0x1, s1  }
0x8c: {  	s18 =	sshll.u32 s0, $0xA;
	s2 =	sadd.s32 s3, s2  }
0x8d: {  	s2 =	sadd.s32 s2, s18  }
0x8e: {  	[smem:$0x3FC1] =	sst s2  }
0x8f: {  	_ = 	snop  }
0x90: {  	s2 =	sld [smem:$0x3FC9]  }
0x91: {  	s19 =	sld [smem:$0x3FC8]  }
0x92: {  	s4 =	sld [smem:$0x3FC7]  }
0x93: {  	s5 =	sld [smem:$0x3FC6]  }
0x94: {  	s6 =	sld [smem:$0x3FC5]  }
0x95: {  	s7 =	sld [smem:$0x3FC4]  }
0x96: {  	s8 =	sld [smem:$0x3FC3]  }
0x97: {  	s9 =	sld [smem:$0x3FD0];
	(tm) =	ssettm $0x1  }
0x98: {  	s10 =	sld [smem:$0x3FFB];
	_ =	sdelay $0x3  }
0x99: {  	_ =	strace s10  }
0x9a: {  	s10 =	sld [smem:$0x3FFC];
	_ =	sdelay $0x3  }
0x9b: {  	_ =	strace s10  }
0x9c: {  	s10 =	sld [smem:$0x3FFD];
	_ =	sdelay $0x3  }
0x9d: {  	_ =	strace s10  }
0x9e: {  	_ =	strace $0x8FFFFFFF  }
0x9f: {  	s20 =	sld [smem:$0x3FDB];
	_ =	sdelay $0x1  }
0xa0: {  	s11 =	simm.s32 $_scs_section_size  }
0xa1: {  	s12 =	simm.s32 $_size__tile_overlayer_lowered;
	s13 =	simm.s32 $_tile_overlayer_lowered  }
0xa2: {  	s23 =	simm.s32 $0x1BFF;
	s22 =	sshll.u32 s13, $0x1;
	s10 =	sadd.s32 s11, s20  }
0xa3: {  	s14 =	simm.s32 $0x0;
	s21 =	sshll.u32 s12, $0x1;
	s12 =	sadd.s32 s22, s10  }
0xa4: {  	[timem:s14], [sflag:s23] =	dma.local [hbm:s12], s21  }
0xa5: {  	_ =	swait.ge [sflag:s23], s21  }
0xa6: {  	s11 =	ssub.s32 $0x0, s21;
	[sflag:s23] =	ssyncset.done $0x0  }
0xa7: {  	[sflag:s23] =	ssyncadd.s32 s11;
	_ =	sdelay $0x1  }
0xa8: {  	s24 =	simm.s32 $0x1B8B  }
0xa9: {  	_ =	swait.ge [sflag:s24], $0x1  }
0xaa: {  	[sflag:s24] =	ssyncset.done $0x0  }
0xab: {  	s25 =	simm.s32 $0x1B8E;
	[sflag:s24] =	ssyncadd.s32 $0xFFFFFFFF  }
0xac: {  	s26 =	simm.s32 $execute0_lowered;
	[smem:$0x3FD2] =	sst s25  }
0xad: {  	s11 =	sshll.u32 s26, $0x1;
	_ =	strace $0x80000046;
	[dreg:$0x1] =	wrdreg $0xFFFFFFFF  }
0xae: {  	s28 =	simm.s32 $_size_execute0_lowered;
	s10 =	sadd.s32 s10, s11;
	[dreg:$0x0] =	wrdreg $0x0  }
0xaf: {  	s11 =	sshll.u32 s28, $0x1;
	[dreg:$0x2] =	wrdreg s10  }
0xb0: {  	[dreg:$0x3] =	wrdreg s11  }
0xb1: {  	[dreg:$0x4] =	wrdreg $0xC0  }
0xb2: {  	_ =	task [dreg:s14], $0x5FFFF  }
0xb3: {  	[dreg:$0x1] =	wrdreg $0xFFFFFFFF  }
0xb4: {  	[dreg:$0x0] =	wrdreg $0x60  }
0xb5: {  	[dreg:$0x2] =	wrdreg s2  }
0xb6: {  	[dreg:$0x3] =	wrdreg s19  }
0xb7: {  	[dreg:$0x4] =	wrdreg s4  }
0xb8: {  	[dreg:$0x5] =	wrdreg s5  }
0xb9: {  	[dreg:$0x6] =	wrdreg s6  }
0xba: {  	[dreg:$0x7] =	wrdreg s7  }
0xbb: {  	[dreg:$0x8] =	wrdreg s8  }
0xbc: {  	[dreg:$0x9] =	wrdreg s9  }
0xbd: {  	[dreg:$0xa] =	wrdreg $0x9  }
0xbe: {  	_ =	task.clear_ibuf [dreg:s14], $0xBFFFF;
	_ =	strace $0x90000046  }
0xbf: {  	s29 =	simm.s32 $0x9;
	_ =	strace $0x80000048  }
0xc0: {  	_ =	swait.ge [sflag:s29], $0x1  }
0xc1: {  	[sflag:s29] =	ssyncadd.s32 $0xFFFFFFFF  }
0xc2: {  	_ =	strace $0x90000048  }
0xc3: {  	_ =	sfence  }
0xc4: {  	s30 =	sld [smem:$0x0];
	_ =	sdelay $0x2  }
0xc5: {  	s31 =	sshll.u32 s1, $0xD;
	s1 =	sshrl.u32 s1, $0x2  }
0xc6: {  	s3 =	sand.u32 $0x4000, s31;
	s1 =	sadd.s32 s1, s30  }
0xc7: {  	s0 =	sor.u32 s3, s0;
	s1 =	sshll.u32 s1, $0x11  }
0xc8: {  	s0 =	sor.u32 s1, s0  }
0xc9: {  	s0 =	sadd.s32 $0x8F2B, s0  }
0xca: {  	[sflag:s0] =	ssyncadd.remote.s32 $0x1  }
0xcb: {  	_ =	sfence.sel $0xFFFF  }
0xcc: {  	[dreg:$0x0] =	wrdreg $0xFFFFFFFF;
	(pc) =	sbr.abs _section_cstart, $3  }
0xcd: {  	[dreg:$0x1] =	wrdreg $0xFFFFFFFF  }
0xce: {  	_ =	task.clear_ibuf [dreg:s14], $0x2FFFF;
	_ =	strace $0x9FFFFFFF  }
0xcf: {  	(tm) =	ssettm $0x7FFFFFFF  }
tec
execute0_lowered:
.L_overlay_start_1:
0x0: {  	(tag) =	ssettag $0x1  }
0x1: {  	s0 =	rddreg [dreg:$0x0]  }
0x2: {  	s1 =	rddreg [dreg:$0x1];
	v0 =	vimm.f32 $1.500000000e+01;
	vm0 =	vcmask $0x300  }
0x3: {  	s2 =	rddreg [dreg:$0x2];
	vm14 =	vcmask $0x704;
	v0 =	vsel vm0, $0x0, v0  }
0x4: {  	s3 =	rddreg [dreg:$0x3];
	vm15 =	vcmask $0xB08;
	v0 =	vsel vm14, $0x3F800000, v0  }
0x5: {  	s8 =	rddreg [dreg:$0x7];
	s4 =	srdreg.scid;
	vm4 =	vcmask $0xF0C;
	v0 =	vsel vm15, $0x40000000, v0  }
0x6: {  	s10 =	simm.s32 $0x0;
	s6 =	stileid.u32;
	vm5 =	vcmask $0x1310;
	s21 =	simm.s32 $0x1000;
	v0 =	vsel vm4, $0x40400000, v0  }
0x7: {  	vm6 =	vcmask $0x1714;
	s22 =	simm.s32 $0x1400;
	s30 =	simm.s32 $0x1880;
	s31 =	simm.s32 $0x9900;
	v0 =	vsel vm5, $0x40800000, v0  }
0x8: {  	vm7 =	vcmask $0x1B18;
	s9 =	simm.s32 $0xD900;
	s4 =	sand.u32 $0x1, s4;
	s6 =	sshll.u32 s6, $0x10;
	v0 =	vsel vm6, $0x40A00000, v0  }
0x9: {  	vm8 =	vcmask $0x1F1C;
	[smem:$0x7FF] =	sst s10;
	s5 =	ssub.s32 $0x2, s4;
	s4 =	sshll.u32 s4, $0xF;
	v0 =	vsel vm7, $0x40C00000, v0  }
0xa: {  	vm9 =	vcmask $0x2320;
	s14 =	simm.s32 $0x0;
	_ =	strace $0x80000047;
	s11 =	sor.u32 s4, s6;
	v0 =	vsel vm8, $0x40E00000, v0  }
0xb: {  	vm10 =	vcmask $0x2724;
	s7 =	sshrl.u32 s5, $0x1;
	s6 =	simm.s32 $0xB900;
	s24 =	sshrl.u32 s11, $0x3;
	v0 =	vsel vm9, $0x41000000, v0  }
0xc: {  	vm11 =	vcmask $0x2B28;
	s23 =	ssub.s32 s5, s7;
	s7 =	simm.s32 $0x11900;
	s25 =	sadd.s32 s0, s24;
	v0 =	vsel vm10, $0x41100000, v0  }
0xd: {  	vm12 =	vcmask $0x2F2C;
	s26 =	sadd.s32 s1, s24;
	s28 =	sor.u32 $0x800, s24;
	[dreg:$0x9] =	wrdreg s25;
	v0 =	vsel vm11, $0x41200000, v0  }
0xe: {  	vm13 =	vcmask $0x3330;
	s29 =	sadd.s32 s2, s24;
	s5 =	sadd.s32 s3, s24;
	[dreg:$0xa] =	wrdreg s26;
	v0 =	vsel vm12, $0x41300000, v0  }
0xf: {  	vm14 =	vcmask $0x3734;
	s4 =	smax.u32 s23, $0x1;
	s24 =	simm.s32 $0x3;
	[dreg:$0xb] =	wrdreg s29;
	v0 =	vsel vm13, $0x41400000, v0  }
0x10: {  	vm15 =	vcmask $0x3B38;
	[dreg:$0xc] =	wrdreg s5;
	s16 =	sadd.s32 s0, s28;
	s17 =	sadd.s32 s1, s28;
	v1 =	vsel vm14, $0x41500000, v0;
	v0 =	vlaneseq.u32  }
0x11: {  	v2 =	vimm.f32 $0.0e+00;
	s18 =	sadd.s32 s2, s28;
	s19 =	sadd.s32 s3, s28;
	[dreg:$0xd] =	wrdreg s4;
	v1 =	vsel vm15, $0x41600000, v1;
	v3 =	vshrl.u32 v0, $0x3  }
0x12: {  	s4 =	simm.s32 $0xF900;
	s5 =	simm.s32 $0x2;
	s25 =	simm.s32 $0x13900;
	v5 =	vand.u32 $0x7, v0;
	v6 =	vmul.u32 $0x8, v0;
	v4 =	vmul.u32 $0x81, v3  }
.LBB2_1:
0x13: {  	[dreg:$0xe] =	wrdreg s14  }
0x14: {  	s12 =	rddreg [dreg:$0x4]  }
0x15: {  	[tilespmem:s21], [sflag:$0x1] =	stream.linear.gather [hbm4b:s12+s10], $0x400, $0x38;
	[tilespmem:$0x15900] =	vst v63  }
0x16: {  	s23 =	rddreg [dreg:$0x5]  }
0x17: {  	[tilespmem:s22], [sflag:$0x1] =	stream.linear.gather [hbm4b:s23+s10], $0x400, $0x38;
	[tilespmem:$0x15900] =	vst v63  }
0x18: {  	s26 =	rddreg [dreg:$0x6];
	s13 =	simm.s32 $0x1800  }
0x19: {  	[tilespmem:s13], [sflag:$0x1] =	stream.linear.gather [hbm4b:s26+s10], $0x80, $0x38;
	[tilespmem:$0x15900] =	vst v63  }
0x1a: {  	s28 =	rddreg [dreg:$0x9];
	s29 =	simm.s32 $0x1900  }
0x1b: {  	[tilespmem:s29], [sflag:$0x2] =	stream.linear.gather [hbm4b:s28+s10], $0x2000, $0x38;
	[tilespmem:$0x15900] =	vst v63  }
0x1c: {  	s14 =	rddreg [dreg:$0xa];
	s15 =	simm.s32 $0x3900  }
0x1d: {  	[tilespmem:s15], [sflag:$0x2] =	stream.linear.gather [hbm4b:s14+s10], $0x2000, $0x38;
	[tilespmem:$0x15900] =	vst v63  }
0x1e: {  	s20 =	rddreg [dreg:$0xb];
	s23 =	simm.s32 $0x5900  }
0x1f: {  	[tilespmem:s23], [sflag:$0x2] =	stream.linear.gather [hbm4b:s20+s10], $0x2000, $0x38;
	[tilespmem:$0x15900] =	vst v63  }
0x20: {  	s26 =	rddreg [dreg:$0xc];
	s28 =	simm.s32 $0x7900;
	s29 =	simm.s32 $0x1  }
0x21: {  	[tilespmem:s28], [sflag:$0x2] =	stream.linear.gather [hbm4b:s26+s10], $0x2000, $0x38;
	[tilespmem:$0x15900] =	vst v63  }
0x22: {  	_ =	swait.ge [sflag:s29], $0x400  }
0x23: {  	[sflag:s29] =	ssyncset.done $0x0  }
0x24: {  	[sflag:s29] =	ssyncadd.s32 $0xFFFFFC00  }
0x25: {  	_ =	swait.ge [sflag:s29], $0x400  }
0x26: {  	[sflag:s29] =	ssyncset.done $0x0  }
0x27: {  	[sflag:s29] =	ssyncadd.s32 $0xFFFFFC00  }
0x28: {  	_ =	swait.ge [sflag:s29], $0x80  }
0x29: {  	[sflag:s29] =	ssyncset.done $0x0  }
0x2a: {  	[sflag:s29] =	ssyncadd.s32 $0xFFFFFF80  }
0x2b: {  	v7 =	vld.msk [tilespmem:s13+$0x0], $0xffff;
	_ =	sdelay $0x4  }
0x2c: {  	v8 =	vsub.f32 $0.0e+00, v7;
	_ =	sdelay $0x1  }
0x2d: {  	v8 =	vmul.f32 v1, v8;
	_ =	sdelay $0x1  }
0x2e: {  	v8 =	vmul.f32 $1.442695020e+00, v8;
	_ =	sdelay $0x1  }
0x2f: {  	(erf) = vpow2.f32 v8;
	_ =	sdelay $0x8  }
0x30: {  	v8 =	vpop (erf)  }
0x31: {  	v7 =	vmul.f32 v8, v7;
	_ =	sdelay $0x1  }
0x32: {  	s12 =	simm.s32 $0x40;
	[tilespmem:$0x1880] =	vst v7  }
0x33: {  	[tilespmem:s12+$0xFFFFFFC0] =	vst v2  }
0x34: {  	[tilespmem:s12+$0x30] =	vst v2  }
0x35: {  	[tilespmem:s12+$0x20] =	vst v2  }
0x36: {  	[tilespmem:s12+$0x10] =	vst v2  }
0x37: {  	[tilespmem:s12+$0x0] =	vst v2  }
0x38: {  	[tilespmem:s12+$0xFFFFFFF0] =	vst v2  }
0x39: {  	s14 =	simm.s32 $0x0;
	s13 =	simm.s32 $0x30;
	[tilespmem:s12+$0xFFFFFFE0] =	vst v2  }
.LBB2_2:
0x3a: {  	s14 =	sadd.s32 $0x8, s14;
	[tilespmem:s12+$0xFFFFFFD0] =	vst v2;
	s12 =	sadd.s32 $0x80, s12  }
0x3b: {  	[tilespmem:s12+$0xFFFFFFC0] =	vst v2;
	p0 =	slt.u32 s14, $0xF8  }
0x3c: {  	[tilespmem:s12+$0x30] =	vst v2  }
.Ltmp0:
0x3d: {  	[tilespmem:s12+$0x20] =	vst v2;
	(pc) =	sbr.rel @p0 .LBB2_2-.Ltmp0, $4  }
0x3e: {  	[tilespmem:s12+$0x10] =	vst v2  }
0x3f: {  	[tilespmem:s12+$0x0] =	vst v2  }
0x40: {  	[tilespmem:s12+$0xFFFFFFF0] =	vst v2  }
0x41: {  	[tilespmem:s12+$0xFFFFFFE0] =	vst v2  }
0x42: {  	s14 =	simm.s32 $0x20  }
0x43: {  	s15 =	simm.s32 $0x10;
	v11 =	vmov s13;
	v12 =	vor.u32 s13, v0;
	v7 =	vmov s14  }
0x44: {  	s20 =	simm.s32 $0x0;
	s23 =	simm.s32 $0x70;
	v8 =	vor.u32 s14, v0;
	v13 =	vmov s15;
	v14 =	vor.u32 s15, v0  }
0x45: {  	s29 =	simm.s32 $0x40;
	v16 =	vmov s20;
	v11 =	vshrl.u32 v11, $0x6;
	v59 =	vor.u32 s23, v0  }
0x46: {  	v28 =	vmov s29;
	v7 =	vshrl.u32 v7, $0x6;
	v9 =	vshrl.u32 v8, $0x3  }
0x47: {  	v13 =	vshrl.u32 v13, $0x6;
	v9 =	vand.u32 $0x7, v9;
	v10 =	vshll.u32 v7, $0x7  }
0x48: {  	v17 =	vshrl.u32 v14, $0x3;
	v20 =	vshll.u32 v16, $0x1;
	v10 =	vor.u32 v10, v9  }
0x49: {  	v21 =	vshll.u32 v11, $0x7;
	v23 =	vshrl.u32 v16, $0x6;
	v15 =	vmul.u32 $0x81, v9  }
0x4a: {  	v11 =	vsub.s32 v5, v11;
	v16 =	vshll.u32 v16, $0x3;
	v7 =	vsub.s32 v5, v7  }
0x4b: {  	v8 =	vshll.u32 v8, $0x3;
	v14 =	vshll.u32 v14, $0x3;
	v18 =	vsub.s32 $0x0, v7  }
0x4c: {  	[tilespmem:s12+$0xFFFFFFD0] =	vst v2;
	v17 =	vand.u32 $0x7, v17;
	v19 =	vshll.u32 v13, $0x7;
	v7 =	vmin.u32 v7, v18  }
0x4d: {  	v31 =	vshrl.u32 v59, $0x3;
	v33 =	vshll.u32 v28, $0x1;
	v19 =	vor.u32 v19, v17;
	v10 =	vld.idx.msk [tilespmem:v10+s21+$0x0], $0xffff  }
0x4e: {  	v37 =	vshrl.u32 v28, $0x6;
	v20 =	vor.u32 v3, v20;
	v13 =	vsub.s32 v5, v13  }
0x4f: {  	v23 =	vsub.s32 v5, v23;
	v27 =	vsub.s32 $0x0, v11;
	v31 =	vand.u32 $0x7, v31;
	v15 =	vld.idx.msk [tilespmem:v15+s22+$0x0], $0xffff  }
0x50: {  	v33 =	vor.u32 v3, v33;
	v37 =	vsub.s32 v5, v37;
	v22 =	vmul.u32 $0x81, v17  }
0x51: {  	v25 =	vsub.s32 $0x0, v13;
	v26 =	vsub.s32 $0x0, v23;
	v18 =	vshrl.u32 v12, $0x3;
	v7 =	vld.idx.msk [tilespmem:v7+s30+$0x0], $0xffff  }
0x52: {  	v11 =	vmin.u32 v11, v27;
	v18 =	vand.u32 $0x7, v18;
	v19 =	vld.idx.msk [tilespmem:v19+s21+$0x0], $0xffff;
	v10 =	vcvt.s32.f32 v10  }
0x53: {  	v8 =	vor.u32 v8, v9;
	v9 =	vor.u32 v6, v16;
	v21 =	vor.u32 v21, v18;
	v20 =	vld.idx.msk [tilespmem:v20+s21+$0x0], $0xffff  }
0x54: {  	v14 =	vor.u32 v14, v17;
	v40 =	vmul.u32 $0x81, v31;
	v10 =	vmul.f32 v10, v15  }
0x55: {  	v13 =	vmin.u32 v13, v25;
	v23 =	vmin.u32 v23, v26;
	v12 =	vshll.u32 v12, $0x3  }
0x56: {  	s28 =	simm.s32 $0x60;
	v24 =	vmul.u32 $0x81, v18;
	v16 =	vmul.f32 v7, v10;
	v7 =	vor.u32 v12, v18  }
0x57: {  	v10 =	vcvt.s32.f32 v19;
	v18 =	vmov s28;
	v19 =	vor.u32 s28, v0  }
0x58: {  	s26 =	simm.s32 $0x50;
	v21 =	vld.idx.msk [tilespmem:v21+s21+$0x0], $0xffff;
	v17 =	vcvt.s32.f32 v20;
	v18 =	vshrl.u32 v18, $0x6;
	v60 =	vshrl.u32 v19, $0x3  }
0x59: {  	v20 =	vor.u32 s26, v0;
	v26 =	vand.u32 $0x7, v60;
	v61 =	vshll.u32 v18, $0x7  }
0x5a: {  	v35 =	vld.idx.msk [tilespmem:v4+s22+$0x0], $0xffff;
	v41 =	vor.u32 v3, v9;
	v29 =	vshrl.u32 v20, $0x3;
	v27 =	vor.u32 v61, v26  }
0x5b: {  	v39 =	vld.idx.msk [tilespmem:v11+s30+$0x0], $0xffff;
	v29 =	vand.u32 $0x7, v29;
	v15 =	vmov s26;
	v30 =	vmul.u32 $0x81, v26  }
0x5c: {  	v22 =	vld.idx.msk [tilespmem:v22+s22+$0x0], $0xffff;
	v36 =	vmul.u32 $0x81, v29;
	v15 =	vshrl.u32 v15, $0x6;
	v18 =	vsub.s32 v5, v18  }
0x5d: {  	v13 =	vld.idx.msk [tilespmem:v13+s30+$0x0], $0xffff;
	v9 =	vcvt.s32.f32 v21;
	v12 =	vmov s23;
	v34 =	vsub.s32 $0x0, v18  }
0x5e: {  	v24 =	vld.idx.msk [tilespmem:v24+s22+$0x0], $0xffff;
	v32 =	vshll.u32 v15, $0x7;
	v15 =	vsub.s32 v5, v15;
	v18 =	vmin.u32 v18, v34  }
0x5f: {  	v12 =	vshrl.u32 v12, $0x6;
	v32 =	vor.u32 v32, v29;
	v38 =	vsub.s32 $0x0, v15;
	v27 =	vld.idx.msk [tilespmem:v27+s21+$0x0], $0xffff  }
0x60: {  	v23 =	vld.idx.msk [tilespmem:v23+s30+$0x0], $0xffff;
	v62 =	vshll.u32 v12, $0x7;
	v11 =	vsub.s32 v5, v12;
	v12 =	vsub.s32 $0x0, v37  }
0x61: {  	v38 =	vmin.u32 v15, v38;
	v37 =	vmin.u32 v37, v12;
	v12 =	vsub.s32 $0x0, v11;
	v30 =	vld.idx.msk [tilespmem:v30+s22+$0x0], $0xffff  }
0x62: {  	v21 =	vmul.f32 v10, v22;
	v15 =	vmin.u32 v11, v12;
	v12 =	vmul.f32 v17, v35;
	v17 =	vld.idx.msk [tilespmem:v33+s21+$0x0], $0xffff  }
0x63: {  	v9 =	vmul.f32 v9, v24;
	v10 =	vshll.u32 v19, $0x3;
	v34 =	vor.u32 v62, v31;
	v42 =	vld.idx.msk [tilespmem:v18+s30+$0x0], $0xffff  }
0x64: {  	v11 =	vshll.u32 v28, $0x3;
	v13 =	vmul.f32 v13, v21;
	v63 =	vld.idx.msk [tilespmem:v32+s21+$0x0], $0xffff;
	v22 =	vcvt.s32.f32 v27  }
0x65: {  	s13 =	simm.s32 $0x0;
	v23 =	vmul.f32 v23, v12;
	v12 =	vor.u32 v6, v11;
	v11 =	vld.idx.msk [tilespmem:v36+s22+$0x0], $0xffff;
	v18 =	vor.u32 v10, v26  }
0x66: {  	[tilespmem:v8+s13+$0x0] =	vst.idx.msk $0xffff, v16;
	v8 =	vor.u32 v3, v12;
	v12 =	vld.idx.msk [tilespmem:v40+s22+$0x0], $0xffff;
	v21 =	vmul.f32 v22, v30  }
0x67: {  	v16 =	vshll.u32 v59, $0x3;
	v19 =	vmul.f32 v39, v9;
	[tilespmem:v14+s13+$0x0] =	vst.idx.msk $0xffff, v13;
	v14 =	vld.idx.msk [tilespmem:v38+s30+$0x0], $0xffff  }
0x68: {  	p1 =	por $0x0, $0x0;
	p2 =	por $0x1, $0x1;
	v9 =	vshll.u32 v20, $0x3;
	v20 =	vor.u32 v16, v31;
	v13 =	vld.idx.msk [tilespmem:v37+s30+$0x0], $0xffff;
	v21 =	vmul.f32 v42, v21  }
0x69: {  	s12 =	simm.s32 $0x0;
	s14 =	simm.s32 $0x4;
	s15 =	simm.s32 $0xB0;
	v9 =	vor.u32 v9, v29;
	[tilespmem:v41+s13+$0x0] =	vst.idx.msk $0xffff, v23;
	v10 =	vld.idx.msk [tilespmem:v34+s21+$0x0], $0xffff;
	v16 =	vcvt.s32.f32 v63  }
.LBB2_4:
0x6a: {  	s20 =	sadd.s32 $0xFFFFFFE0, s15;
	s23 =	sadd.s32 $0xFFFFFFF0, s15;
	v22 =	vmov s15;
	v23 =	vor.u32 s15, v0;
	s14 =	sadd.s32 $0x4, s14;
	v17 =	vcvt.s32.f32 v17;
	[tilespmem:v18+s13+$0x0] =	vst.idx.msk $0xffff, v21;
	v21 =	vld.idx.msk [tilespmem:v15+s30+$0x0], $0xffff  }
0x6b: {  	s26 =	sadd.s32 $0xFFFFFFD0, s15;
	v15 =	vmov s20;
	v18 =	vmov s23;
	v24 =	vor.u32 s23, v0;
	p0 =	slt.u32 s14, $0x1C;
	[tilespmem:v7+s12+$0x0] =	vst.idx.msk $0xffff, v19;
	v7 =	vmovc v20;
	s12 =	smov.u32 s13  }
0x6c: {  	v20 =	vor.u32 s20, v0;
	v18 =	vshrl.u32 v18, $0x6;
	v19 =	vshrl.u32 v24, $0x3  }
0x6d: {  	v15 =	vshrl.u32 v15, $0x6;
	v19 =	vand.u32 $0x7, v19;
	v25 =	vshll.u32 v18, $0x7  }
0x6e: {  	v26 =	vmov s26;
	v27 =	vshrl.u32 v20, $0x3;
	v25 =	vor.u32 v25, v19  }
0x6f: {  	v22 =	vshrl.u32 v22, $0x6;
	v29 =	vshrl.u32 v23, $0x3;
	v28 =	vmul.u32 $0x81, v19  }
0x70: {  	v27 =	vand.u32 $0x7, v27;
	v30 =	vshll.u32 v15, $0x7;
	v18 =	vsub.s32 v5, v18  }
0x71: {  	v31 =	vshll.u32 v26, $0x1;
	v29 =	vand.u32 $0x7, v29;
	v32 =	vsub.s32 $0x0, v18  }
0x72: {  	v30 =	vor.u32 v30, v27;
	v18 =	vmin.u32 v18, v32;
	v32 =	vshll.u32 v22, $0x7;
	v33 =	vld.idx.msk [tilespmem:v4+s22+$0x0], $0xffff  }
0x73: {  	v31 =	vor.u32 v3, v31;
	v34 =	vmul.u32 $0x81, v27;
	v32 =	vor.u32 v32, v29;
	v25 =	vld.idx.msk [tilespmem:v25+s21+$0x0], $0xffff  }
0x74: {  	v35 =	vshrl.u32 v26, $0x6;
	v15 =	vsub.s32 v5, v15;
	v36 =	vmul.u32 $0x81, v29  }
0x75: {  	v35 =	vsub.s32 v5, v35;
	v37 =	vsub.s32 $0x0, v15;
	v22 =	vsub.s32 v5, v22;
	v28 =	vld.idx.msk [tilespmem:v28+s22+$0x0], $0xffff  }
0x76: {  	v38 =	vsub.s32 $0x0, v35;
	v37 =	vmin.u32 v15, v37;
	v15 =	vsub.s32 $0x0, v22  }
0x77: {  	v10 =	vcvt.s32.f32 v10;
	v35 =	vmin.u32 v35, v38;
	v15 =	vmin.u32 v22, v15;
	v38 =	vld.idx.msk [tilespmem:v18+s30+$0x0], $0xffff  }
0x78: {  	v11 =	vmul.f32 v16, v11;
	v22 =	vshll.u32 v26, $0x3;
	v26 =	vld.idx.msk [tilespmem:v30+s21+$0x0], $0xffff;
	v30 =	vmul.f32 v17, v33  }
0x79: {  	v12 =	vmul.f32 v10, v12;
	v18 =	vshll.u32 v24, $0x3;
	v16 =	vcvt.s32.f32 v25;
	v17 =	vld.idx.msk [tilespmem:v31+s21+$0x0], $0xffff  }
.Ltmp1:
0x7a: {  	v18 =	vor.u32 v18, v19;
	v10 =	vld.idx.msk [tilespmem:v32+s21+$0x0], $0xffff;
	v24 =	vmul.f32 v13, v30;
	v13 =	vmul.f32 v14, v11;
	(pc) =	sbr.rel @p0 .LBB2_4-.Ltmp1, $4  }
0x7b: {  	v19 =	vmul.f32 v21, v12;
	v14 =	vor.u32 v6, v22;
	v16 =	vmul.f32 v16, v28;
	v11 =	vld.idx.msk [tilespmem:v34+s22+$0x0], $0xffff  }
0x7c: {  	v22 =	vor.u32 v3, v14;
	v14 =	vshll.u32 v20, $0x3;
	v20 =	vshll.u32 v23, $0x3;
	v12 =	vld.idx.msk [tilespmem:v36+s22+$0x0], $0xffff;
	[tilespmem:v9+s12+$0x0] =	vst.idx.msk $0xffff, v13  }
0x7d: {  	v9 =	vor.u32 v14, v27;
	v21 =	vmul.f32 v38, v16;
	v20 =	vor.u32 v20, v29;
	v13 =	vld.idx.msk [tilespmem:v35+s30+$0x0], $0xffff  }
0x7e: {  	s15 =	sadd.s32 $0x40, s15;
	v16 =	vcvt.s32.f32 v26;
	v14 =	vld.idx.msk [tilespmem:v37+s30+$0x0], $0xffff;
	[tilespmem:v8+s12+$0x0] =	vst.idx.msk $0xffff, v24;
	v8 =	vmov v22  }
0x7f: {  	_ =	sdelay $0x3  }
0x80: {  	v22 =	vld.idx.msk [tilespmem:v4+s22+$0x0], $0xffff  }
0x81: {  	v15 =	vld.idx.msk [tilespmem:v15+s30+$0x0], $0xffff  }
0x82: {  	v10 =	vcvt.s32.f32 v10  }
0x83: {  	v17 =	vcvt.s32.f32 v17;
	v11 =	vmul.f32 v16, v11  }
0x84: {  	v10 =	vmul.f32 v10, v12  }
0x85: {  	[tilespmem:v18+s13+$0x0] =	vst.idx.msk $0xffff, v21;
	v11 =	vmul.f32 v14, v11;
	v63 =	vmul.f32 v17, v22  }
0x86: {  	[tilespmem:v7+s12+$0x0] =	vst.idx.msk $0xffff, v19;
	v10 =	vmul.f32 v15, v10  }
0x87: {  	[tilespmem:v9+s13+$0x0] =	vst.idx.msk $0xffff, v11;
	v7 =	vmul.f32 v13, v63  }
0x88: {  	[tilespmem:v20+s13+$0x0] =	vst.idx.msk $0xffff, v10  }
0x89: {  	[tilespmem:v8+s13+$0x0] =	vst.idx.msk $0xffff, v7  }
.LBB2_6:
0x8a: {  	s12 =	sor.u32 s13, s11  }
0x8b: {  	s23 =	sshrl.u32 s12, $0x3  }
0x8c: {  	s13 =	sor.u32 $0x400, s23  }
0x8d: {  	s26 =	sadd.s32 s0, s13  }
0x8e: {  	[tilespmem:s31], [sflag:$0x3] =	stream.linear.gather [hbm4b:s26+s10], $0x2000, $0x38;
	[tilespmem:$0x15900] =	vst v63  }
0x8f: {  	s14 =	sadd.s32 s1, s13  }
0x90: {  	[tilespmem:s6], [sflag:$0x3] =	stream.linear.gather [hbm4b:s14+s10], $0x2000, $0x38;
	[tilespmem:$0x15900] =	vst v63  }
0x91: {  	s15 =	sadd.s32 s2, s13  }
0x92: {  	[tilespmem:s9], [sflag:$0x3] =	stream.linear.gather [hbm4b:s15+s10], $0x2000, $0x38;
	[tilespmem:$0x15900] =	vst v63  }
0x93: {  	s20 =	sadd.s32 s3, s13  }
0x94: {  	[tilespmem:s4], [sflag:$0x3] =	stream.linear.gather [hbm4b:s20+s10], $0x2000, $0x38;
	[tilespmem:$0x15900] =	vst v63  }
0x95: {  	_ =	swait.ge [sflag:s5], $0x2000  }
0x96: {  	[sflag:s5] =	ssyncset.done $0x0  }
0x97: {  	[sflag:s5] =	ssyncadd.s32 $0xFFFFE000  }
0x98: {  	_ =	swait.ge [sflag:s5], $0x2000  }
0x99: {  	[sflag:s5] =	ssyncset.done $0x0  }
0x9a: {  	[sflag:s5] =	ssyncadd.s32 $0xFFFFE000  }
0x9b: {  	_ =	swait.ge [sflag:s5], $0x2000  }
0x9c: {  	[sflag:s5] =	ssyncset.done $0x0  }
0x9d: {  	[sflag:s5] =	ssyncadd.s32 $0xFFFFE000  }
0x9e: {  	_ =	swait.ge [sflag:s5], $0x2000  }
0x9f: {  	[sflag:s5] =	ssyncset.done $0x0  }
0xa0: {  	s12 =	simm.s32 @p1 $0x4;
	[sflag:s5] =	ssyncadd.s32 $0xFFFFE000  }
0xa1: {  	_ =	swait.ge @p1 [sflag:s12], $0x2000  }
0xa2: {  	[sflag:s12] =	ssyncset.done @p1 $0x0  }
0xa3: {  	s26 =	simm.s32 $0x1940;
	[sflag:s12] =	ssyncadd.s32 @p1 $0xFFFFE000  }
0xa4: {  	s14 =	simm.s32 $0x3940;
	v7 =	vld [tilespmem:s26+$0x30]  }
0xa5: {  	v8 =	vld [tilespmem:s14+$0x30]  }
0xa6: {  	s15 =	simm.s32 $0x5940;
	v9 =	vld [tilespmem:s14+$0xFFFFFFC0]  }
0xa7: {  	v10 =	vld [tilespmem:s15+$0x30]  }
0xa8: {  	s20 =	simm.s32 $0x7940;
	v11 =	vld [tilespmem:s26+$0xFFFFFFD0]  }
0xa9: {  	v12 =	vld [tilespmem:s20+$0x30]  }
0xaa: {  	v13 =	vld [tilespmem:s14+$0xFFFFFFD0]  }
0xab: {  	v14 =	vld [tilespmem:s26+$0xFFFFFFE0]  }
0xac: {  	v15 =	vld [tilespmem:s14+$0xFFFFFFF0]  }
0xad: {  	v16 =	vld [tilespmem:s14+$0x0]  }
0xae: {  	v17 =	vld [tilespmem:s26+$0x10]  }
0xaf: {  	v18 =	vld [tilespmem:s14+$0x10]  }
0xb0: {  	v19 =	vld [tilespmem:s26+$0x20]  }
0xb1: {  	v20 =	vld [tilespmem:s14+$0x20]  }
0xb2: {  	v21 =	vld [tilespmem:s26+$0xFFFFFFC0]  }
0xb3: {  	v22 =	vld [tilespmem:s15+$0xFFFFFFC0]  }
0xb4: {  	v23 =	vld [tilespmem:s15+$0xFFFFFFD0]  }
0xb5: {  	v24 =	vld [tilespmem:s15+$0xFFFFFFE0]  }
0xb6: {  	v25 =	vld [tilespmem:s15+$0xFFFFFFF0]  }
0xb7: {  	v26 =	vld [tilespmem:s20+$0xFFFFFFC0]  }
0xb8: {  	v27 =	vld [tilespmem:s20+$0xFFFFFFD0]  }
0xb9: {  	v59 =	vld [tilespmem:s15+$0x10]  }
0xba: {  	v60 =	vld [tilespmem:s15+$0x20]  }
0xbb: {  	v61 =	vld [tilespmem:s20+$0x0];
	v7 =	vshll.u32 v7, $0x6;
	v8 =	vshll.u32 v8, $0x3  }
0xbc: {  	v11 =	vshll.u32 v11, $0x6;
	v13 =	vshll.u32 v13, $0x3;
	v7 =	vadd.s32 v7, v8;
	v8 =	vld [tilespmem:s14+$0xFFFFFFE0]  }
0xbd: {  	v11 =	vadd.s32 v11, v13;
	v13 =	vld [tilespmem:s20+$0xFFFFFFE0]  }
0xbe: {  	s14 =	simm.s32 $0x39C0;
	v7 =	vadd.s32 v10, v7;
	v10 =	vld [tilespmem:s26+$0xFFFFFFF0]  }
0xbf: {  	v62 =	vld [tilespmem:s14+$0x30]  }
0xc0: {  	v63 =	vld [tilespmem:s14+$0xFFFFFFC0]  }
0xc1: {  	v30 =	vld [tilespmem:s14+$0xFFFFFFD0]  }
0xc2: {  	v44 =	vld [tilespmem:s14+$0xFFFFFFE0]  }
0xc3: {  	v32 =	vld [tilespmem:s14+$0xFFFFFFF0]  }
0xc4: {  	v33 =	vld [tilespmem:s14+$0x0]  }
0xc5: {  	v14 =	vshll.u32 v14, $0x6;
	v35 =	vld [tilespmem:s14+$0x10];
	v8 =	vshll.u32 v8, $0x3  }
0xc6: {  	v8 =	vadd.s32 v14, v8;
	v14 =	vshll.u32 v15, $0x3;
	v15 =	vld [tilespmem:s20+$0xFFFFFFF0]  }
0xc7: {  	v38 =	vld [tilespmem:s14+$0x20];
	v7 =	vshll.u32 v7, $0x3;
	v10 =	vshll.u32 v10, $0x6  }
0xc8: {  	v7 =	vadd.s32 v12, v7;
	v12 =	vld [tilespmem:s26+$0x0];
	s26 =	simm.s32 $0x19C0;
	v10 =	vadd.s32 v10, v14  }
0xc9: {  	v28 =	vld [tilespmem:s26+$0xFFFFFFD0];
	v10 =	vadd.s32 v25, v10  }
0xca: {  	v31 =	vld [tilespmem:s26+$0xFFFFFFE0];
	v10 =	vshll.u32 v10, $0x3  }
0xcb: {  	v45 =	vld [tilespmem:s26+$0xFFFFFFF0];
	v10 =	vadd.s32 v15, v10  }
0xcc: {  	v46 =	vld [tilespmem:s26+$0x0]  }
0xcd: {  	v34 =	vld [tilespmem:s26+$0x10]  }
0xce: {  	v9 =	vshll.u32 v9, $0x3;
	v21 =	vshll.u32 v21, $0x6;
	v37 =	vld [tilespmem:s26+$0x20]  }
0xcf: {  	v9 =	vadd.s32 v21, v9;
	v14 =	vld [tilespmem:s15+$0x0]  }
0xd0: {  	v9 =	vadd.s32 v22, v9;
	v8 =	vadd.s32 v24, v8;
	v24 =	vld.idx.msk [tilespmem:v10+s10+$0x0], $0xffff  }
0xd1: {  	v11 =	vadd.s32 v23, v11;
	v9 =	vshll.u32 v9, $0x3;
	s15 =	simm.s32 $0x59C0;
	v10 =	vld [tilespmem:s26+$0x30]  }
0xd2: {  	v11 =	vshll.u32 v11, $0x3;
	v9 =	vadd.s32 v26, v9;
	v8 =	vshll.u32 v8, $0x3;
	v43 =	vld [tilespmem:s15+$0x30]  }
0xd3: {  	v11 =	vadd.s32 v27, v11;
	v8 =	vadd.s32 v13, v8;
	v13 =	vld [tilespmem:s20+$0x10]  }
0xd4: {  	v15 =	vld [tilespmem:s20+$0x20];
	s20 =	simm.s32 $0x79C0  }
0xd5: {  	v29 =	vld [tilespmem:s20+$0x30]  }
0xd6: {  	v7 =	vld.idx.msk [tilespmem:v7+s10+$0x0], $0xffff;
	v25 =	vshll.u32 v62, $0x3;
	v10 =	vshll.u32 v10, $0x6  }
0xd7: {  	v9 =	vld.idx.msk [tilespmem:v9+s10+$0x0], $0xffff;
	v10 =	vadd.s32 v10, v25  }
0xd8: {  	v11 =	vld.idx.msk [tilespmem:v11+s10+$0x0], $0xffff;
	v10 =	vadd.s32 v43, v10  }
0xd9: {  	v39 =	vld [tilespmem:s15+$0xFFFFFFC0];
	v10 =	vshll.u32 v10, $0x3  }
0xda: {  	v40 =	vld [tilespmem:s15+$0xFFFFFFE0];
	v10 =	vadd.s32 v29, v10  }
0xdb: {  	v48 =	vld [tilespmem:s15+$0x0]  }
0xdc: {  	v16 =	vshll.u32 v16, $0x3;
	v18 =	vshll.u32 v18, $0x3;
	v49 =	vld [tilespmem:s15+$0x10]  }
0xdd: {  	v19 =	vshll.u32 v19, $0x6;
	v20 =	vshll.u32 v20, $0x3;
	v12 =	vshll.u32 v12, $0x6;
	v57 =	vld [tilespmem:s15+$0x20]  }
0xde: {  	v47 =	vadd.s32 v19, v20;
	v12 =	vadd.s32 v12, v16;
	v16 =	vshll.u32 v17, $0x6;
	v17 =	vld [tilespmem:s15+$0xFFFFFFD0]  }
0xdf: {  	v50 =	vshll.u32 v30, $0x3;
	v52 =	vshll.u32 v63, $0x3;
	v56 =	vshll.u32 v32, $0x3;
	v36 =	vld.idx.msk [tilespmem:v10+s10+$0x0], $0xffff  }
0xe0: {  	v54 =	vshll.u32 v31, $0x6;
	v27 =	vshll.u32 v45, $0x6;
	v16 =	vadd.s32 v16, v18;
	v10 =	vld [tilespmem:s26+$0xFFFFFFC0]  }
0xe1: {  	v18 =	vadd.s32 v60, v47;
	v16 =	vadd.s32 v59, v16;
	v12 =	vadd.s32 v14, v12;
	v14 =	vld [tilespmem:s15+$0xFFFFFFF0]  }
0xe2: {  	v58 =	vadd.s32 v27, v56;
	v16 =	vshll.u32 v16, $0x3;
	v51 =	vld [tilespmem:s20+$0xFFFFFFC0];
	v12 =	vshll.u32 v12, $0x3  }
0xe3: {  	v53 =	vld [tilespmem:s20+$0xFFFFFFD0];
	v12 =	vadd.s32 v61, v12;
	v13 =	vadd.s32 v13, v16;
	v16 =	vshll.u32 v28, $0x6  }
0xe4: {  	v18 =	vshll.u32 v18, $0x3;
	v55 =	vld [tilespmem:s20+$0xFFFFFFE0];
	v16 =	vadd.s32 v16, v50;
	v25 =	vshll.u32 v44, $0x3  }
0xe5: {  	v8 =	vld.idx.msk [tilespmem:v8+s10+$0x0], $0xffff;
	v15 =	vadd.s32 v15, v18;
	v23 =	vadd.s32 v54, v25;
	v10 =	vshll.u32 v10, $0x6  }
0xe6: {  	v59 =	vld [tilespmem:s20+$0xFFFFFFF0];
	v16 =	vadd.s32 v17, v16;
	v17 =	vadd.s32 v40, v23;
	v10 =	vadd.s32 v10, v52  }
0xe7: {  	v60 =	vld [tilespmem:s20+$0x0];
	v16 =	vshll.u32 v16, $0x3;
	v17 =	vshll.u32 v17, $0x3;
	s26 =	simm.s32 $0x11940;
	v10 =	vadd.s32 v39, v10  }
0xe8: {  	v62 =	vld.idx.msk [tilespmem:v12+s10+$0x0], $0xffff;
	[tilespmem:s26+$0x30] =	vst v7;
	v7 =	vadd.s32 v14, v58;
	v14 =	vadd.s32 v53, v16;
	v10 =	vshll.u32 v10, $0x3  }
0xe9: {  	v61 =	vld [tilespmem:s20+$0x10];
	v16 =	vadd.s32 v55, v17;
	[tilespmem:s26+$0xFFFFFFC0] =	vst v9;
	v22 =	vadd.s32 v51, v10  }
0xea: {  	v12 =	vld.idx.msk [tilespmem:v15+s10+$0x0], $0xffff;
	v9 =	vshll.u32 v46, $0x6;
	[tilespmem:s26+$0xFFFFFFE0] =	vst v8;
	v8 =	vshll.u32 v35, $0x3;
	v7 =	vshll.u32 v7, $0x3  }
0xeb: {  	v17 =	vld [tilespmem:s20+$0x20];
	[tilespmem:s26+$0xFFFFFFD0] =	vst v11;
	v11 =	vshll.u32 v37, $0x6;
	v63 =	vadd.s32 v59, v7;
	v10 =	vshll.u32 v33, $0x3  }
0xec: {  	[tilespmem:s26+$0xFFFFFFF0] =	vst v24;
	v7 =	vshll.u32 v34, $0x6;
	v9 =	vadd.s32 v9, v10;
	v10 =	vld.idx.msk [tilespmem:v13+s10+$0x0], $0xffff;
	v13 =	vshll.u32 v38, $0x3  }
0xed: {  	[tilespmem:s26+$0x0] =	vst v62;
	v7 =	vadd.s32 v7, v8;
	v8 =	vadd.s32 v11, v13;
	v13 =	vld.idx.msk [tilespmem:v14+s10+$0x0], $0xffff  }
0xee: {  	s28 =	simm.s32 $0x119C0;
	v7 =	vadd.s32 v49, v7;
	v9 =	vadd.s32 v48, v9;
	v8 =	vadd.s32 v57, v8;
	v11 =	vld.idx.msk [tilespmem:v22+s10+$0x0], $0xffff  }
0xef: {  	[tilespmem:s28+$0x30] =	vst v36;
	v15 =	vshll.u32 v7, $0x3;
	v14 =	vld.idx.msk [tilespmem:v16+s10+$0x0], $0xffff;
	v9 =	vshll.u32 v9, $0x3;
	v8 =	vshll.u32 v8, $0x3  }
0xf0: {  	p0 =	por p2, p2;
	s29 =	simm.s32 $0x8;
	s12 =	simm.s32 $0x1A40;
	v7 =	vadd.s32 v60, v9;
	v9 =	vadd.s32 v61, v15;
	v15 =	vld.idx.msk [tilespmem:v63+s10+$0x0], $0xffff;
	v8 =	vadd.s32 v17, v8  }
.LBB2_7:
0xf1: {  	v16 =	vld [tilespmem:s12+$0x30];
	s14 =	sadd.s32 $0x80, s14;
	[tilespmem:s26+$0x10] =	vst v10  }
0xf2: {  	s29 =	sadd.s32 $0x8, s29;
	v10 =	vld [tilespmem:s14+$0x30];
	[tilespmem:s26+$0x20] =	vst v12;
	s26 =	smov.u32 s28  }
0xf3: {  	s15 =	sadd.s32 $0x80, s15;
	p2 =	slt.u32 s29, $0x1F8;
	v12 =	vld [tilespmem:s14+$0xFFFFFFC0];
	[tilespmem:s28+$0xFFFFFFC0] =	vst v11  }
0xf4: {  	v11 =	vld [tilespmem:s15+$0x30];
	[tilespmem:s28+$0xFFFFFFD0] =	vst v13  }
0xf5: {  	s20 =	sadd.s32 $0x80, s20;
	v13 =	vld [tilespmem:s12+$0xFFFFFFD0];
	[tilespmem:s28+$0xFFFFFFE0] =	vst v14  }
0xf6: {  	v14 =	vld [tilespmem:s20+$0x30];
	[tilespmem:s28+$0xFFFFFFF0] =	vst v15  }
0xf7: {  	v16 =	vshll.u32 v16, $0x6;
	v15 =	vld [tilespmem:s14+$0xFFFFFFD0];
	v10 =	vshll.u32 v10, $0x3  }
0xf8: {  	v12 =	vshll.u32 v12, $0x3;
	v17 =	vld [tilespmem:s12+$0xFFFFFFE0];
	v10 =	vadd.s32 v16, v10  }
0xf9: {  	v16 =	vld [tilespmem:s14+$0xFFFFFFE0];
	v10 =	vadd.s32 v11, v10  }
0xfa: {  	v11 =	vshll.u32 v13, $0x6;
	v13 =	vld [tilespmem:s12+$0xFFFFFFF0];
	v10 =	vshll.u32 v10, $0x3  }
0xfb: {  	v18 =	vld [tilespmem:s14+$0xFFFFFFF0];
	v10 =	vadd.s32 v14, v10  }
0xfc: {  	v14 =	vshll.u32 v15, $0x3;
	v15 =	vld [tilespmem:s12+$0x0]  }
0xfd: {  	v11 =	vadd.s32 v11, v14;
	v14 =	vshll.u32 v17, $0x6;
	v17 =	vld [tilespmem:s14+$0x0]  }
0xfe: {  	v16 =	vshll.u32 v16, $0x3;
	v19 =	vld [tilespmem:s12+$0x10]  }
0xff: {  	v14 =	vadd.s32 v14, v16;
	v13 =	vshll.u32 v13, $0x6;
	v16 =	vld [tilespmem:s14+$0x10]  }
0x100: {  	v18 =	vshll.u32 v18, $0x3;
	v10 =	vld.idx.msk [tilespmem:v10+s10+$0x0], $0xffff  }
0x101: {  	v13 =	vadd.s32 v13, v18;
	v15 =	vshll.u32 v15, $0x6;
	v18 =	vld [tilespmem:s12+$0x20]  }
0x102: {  	v17 =	vshll.u32 v17, $0x3;
	v20 =	vld [tilespmem:s14+$0x20]  }
0x103: {  	v21 =	vld [tilespmem:s12+$0xFFFFFFC0];
	v15 =	vadd.s32 v15, v17;
	v17 =	vshll.u32 v19, $0x6  }
0x104: {  	v19 =	vld [tilespmem:s15+$0xFFFFFFC0];
	v16 =	vshll.u32 v16, $0x3  }
0x105: {  	s28 =	sadd.s32 $0x80, s28;
	v22 =	vld [tilespmem:s15+$0xFFFFFFD0];
	v16 =	vadd.s32 v17, v16  }
0x106: {  	v17 =	vld [tilespmem:s15+$0xFFFFFFE0];
	v18 =	vshll.u32 v18, $0x6;
	[tilespmem:s28+$0x30] =	vst v10  }
0x107: {  	v10 =	vld [tilespmem:s15+$0xFFFFFFF0];
	v20 =	vshll.u32 v20, $0x3  }
0x108: {  	v21 =	vshll.u32 v21, $0x6;
	v23 =	vld [tilespmem:s15+$0x0];
	v18 =	vadd.s32 v18, v20  }
0x109: {  	v12 =	vadd.s32 v21, v12;
	v20 =	vld [tilespmem:s15+$0x10]  }
0x10a: {  	v12 =	vadd.s32 v19, v12;
	v11 =	vadd.s32 v22, v11;
	v19 =	vld [tilespmem:s15+$0x20]  }
0x10b: {  	v12 =	vshll.u32 v12, $0x3;
	v21 =	vld [tilespmem:s20+$0xFFFFFFC0];
	v11 =	vshll.u32 v11, $0x3;
	v14 =	vadd.s32 v17, v14  }
0x10c: {  	v17 =	vld [tilespmem:s20+$0xFFFFFFD0];
	v14 =	vshll.u32 v14, $0x3;
	v10 =	vadd.s32 v10, v13  }
0x10d: {  	v13 =	vld [tilespmem:s20+$0xFFFFFFE0];
	v10 =	vshll.u32 v10, $0x3;
	v15 =	vadd.s32 v23, v15  }
0x10e: {  	v22 =	vld [tilespmem:s20+$0xFFFFFFF0];
	v15 =	vshll.u32 v15, $0x3;
	v16 =	vadd.s32 v20, v16  }
0x10f: {  	v20 =	vld [tilespmem:s20+$0x0];
	v16 =	vshll.u32 v16, $0x3;
	v18 =	vadd.s32 v19, v18  }
0x110: {  	v19 =	vadd.s32 v21, v12;
	v21 =	vld [tilespmem:s20+$0x10];
	v18 =	vshll.u32 v18, $0x3  }
0x111: {  	v17 =	vadd.s32 v17, v11;
	v23 =	vld [tilespmem:s20+$0x20]  }
0x112: {  	v14 =	vadd.s32 v13, v14;
	v24 =	vld.idx.msk [tilespmem:v7+s10+$0x0], $0xffff  }
0x113: {  	v22 =	vadd.s32 v22, v10;
	v10 =	vld.idx.msk [tilespmem:v9+s10+$0x0], $0xffff  }
.Ltmp2:
0x114: {  	v7 =	vadd.s32 v20, v15;
	v12 =	vld.idx.msk [tilespmem:v8+s10+$0x0], $0xffff;
	(pc) =	sbr.rel @p2 .LBB2_7-.Ltmp2, $4  }
0x115: {  	v11 =	vld.idx.msk [tilespmem:v19+s10+$0x0], $0xffff;
	v9 =	vadd.s32 v21, v16  }
0x116: {  	v13 =	vld.idx.msk [tilespmem:v17+s10+$0x0], $0xffff;
	v8 =	vadd.s32 v23, v18  }
0x117: {  	v14 =	vld.idx.msk [tilespmem:v14+s10+$0x0], $0xffff  }
0x118: {  	s12 =	sadd.s32 $0x80, s12;
	v15 =	vld.idx.msk [tilespmem:v22+s10+$0x0], $0xffff;
	[tilespmem:s26+$0x0] =	vst v24  }
0x119: {  	_ =	sdelay $0x2  }
0x11a: {  	[tilespmem:s26+$0x10] =	vst v10  }
0x11b: {  	[tilespmem:s26+$0x20] =	vst v12;
	v7 =	vld.idx.msk [tilespmem:v7+s10+$0x0], $0xffff  }
0x11c: {  	v9 =	vld.idx.msk [tilespmem:v9+s10+$0x0], $0xffff;
	[tilespmem:s28+$0xFFFFFFC0] =	vst v11  }
0x11d: {  	v8 =	vld.idx.msk [tilespmem:v8+s10+$0x0], $0xffff;
	[tilespmem:s28+$0xFFFFFFD0] =	vst v13  }
0x11e: {  	[tilespmem:s28+$0xFFFFFFE0] =	vst v14  }
0x11f: {  	[tilespmem:s28+$0xFFFFFFF0] =	vst v15  }
0x120: {  	[tilespmem:s28+$0x0] =	vst v7  }
0x121: {  	[tilespmem:s28+$0x10] =	vst v9  }
0x122: {  	s12 =	sadd.s32 s8, s23;
	[tilespmem:s28+$0x20] =	vst v8  }
0x123: {  	[hbm4b:s12+s10] =	stream.linear.scatter [tilespmem:s7], [sflag:$0x4], $0x2000, $0x38;
	[tilespmem:$0x15900] =	vst v63  }
0x124: {  	s14 =	simm.s32 @p0 $0x1900;
	s12 =	simm.s32 @p0 $0x0  }
0x125: {  	[tilespmem:s14], [sflag:$0x2] =	stream.linear.gather @p0 [hbm4b:s16+s12], $0x2000, $0x38;
	[tilespmem:$0x15900] =	vst v63  }
0x126: {  	s14 =	simm.s32 @p0 $0x3900  }
0x127: {  	[tilespmem:s14], [sflag:$0x2] =	stream.linear.gather @p0 [hbm4b:s17+s12], $0x2000, $0x38;
	[tilespmem:$0x15900] =	vst v63  }
0x128: {  	s14 =	simm.s32 @p0 $0x5900  }
0x129: {  	[tilespmem:s14], [sflag:$0x2] =	stream.linear.gather @p0 [hbm4b:s18+s12], $0x2000, $0x38;
	[tilespmem:$0x15900] =	vst v63  }
0x12a: {  	s14 =	simm.s32 @p0 $0x7900  }
0x12b: {  	[tilespmem:s14], [sflag:$0x2] =	stream.linear.gather @p0 [hbm4b:s19+s12], $0x2000, $0x38;
	[tilespmem:$0x15900] =	vst v63  }
0x12c: {  	_ =	swait.ge [sflag:s24], $0x2000  }
0x12d: {  	[sflag:s24] =	ssyncset.done $0x0  }
0x12e: {  	[sflag:s24] =	ssyncadd.s32 $0xFFFFE000  }
0x12f: {  	_ =	swait.ge [sflag:s24], $0x2000  }
0x130: {  	[sflag:s24] =	ssyncset.done $0x0  }
0x131: {  	[sflag:s24] =	ssyncadd.s32 $0xFFFFE000  }
0x132: {  	_ =	swait.ge [sflag:s24], $0x2000  }
0x133: {  	[sflag:s24] =	ssyncset.done $0x0  }
0x134: {  	[sflag:s24] =	ssyncadd.s32 $0xFFFFE000  }
0x135: {  	_ =	swait.ge [sflag:s24], $0x2000  }
0x136: {  	[sflag:s24] =	ssyncset.done $0x0  }
0x137: {  	s12 =	simm.s32 @p1 $0x5;
	[sflag:s24] =	ssyncadd.s32 $0xFFFFE000  }
0x138: {  	_ =	swait.ge @p1 [sflag:s12], $0x2000  }
0x139: {  	[sflag:s12] =	ssyncset.done @p1 $0x0  }
0x13a: {  	s23 =	simm.s32 $0x9940;
	[sflag:s12] =	ssyncadd.s32 @p1 $0xFFFFE000  }
0x13b: {  	s26 =	simm.s32 $0xB940;
	v7 =	vld [tilespmem:s23+$0x30]  }
0x13c: {  	v8 =	vld [tilespmem:s26+$0x30]  }
0x13d: {  	s15 =	simm.s32 $0xD940;
	v9 =	vld [tilespmem:s26+$0xFFFFFFC0]  }
0x13e: {  	v10 =	vld [tilespmem:s15+$0x30]  }
0x13f: {  	s20 =	simm.s32 $0xF940;
	v11 =	vld [tilespmem:s23+$0xFFFFFFD0]  }
0x140: {  	v12 =	vld [tilespmem:s20+$0x30]  }
0x141: {  	v13 =	vld [tilespmem:s26+$0xFFFFFFD0]  }
0x142: {  	v14 =	vld [tilespmem:s23+$0xFFFFFFE0]  }
0x143: {  	v15 =	vld [tilespmem:s26+$0xFFFFFFF0]  }
0x144: {  	v16 =	vld [tilespmem:s26+$0x0]  }
0x145: {  	v17 =	vld [tilespmem:s23+$0x10]  }
0x146: {  	v18 =	vld [tilespmem:s26+$0x10]  }
0x147: {  	v19 =	vld [tilespmem:s23+$0x20]  }
0x148: {  	v20 =	vld [tilespmem:s26+$0x20]  }
0x149: {  	v21 =	vld [tilespmem:s23+$0xFFFFFFC0]  }
0x14a: {  	v22 =	vld [tilespmem:s15+$0xFFFFFFC0]  }
0x14b: {  	v23 =	vld [tilespmem:s15+$0xFFFFFFD0]  }
0x14c: {  	v24 =	vld [tilespmem:s15+$0xFFFFFFE0]  }
0x14d: {  	v25 =	vld [tilespmem:s15+$0xFFFFFFF0]  }
0x14e: {  	v26 =	vld [tilespmem:s20+$0xFFFFFFC0]  }
0x14f: {  	v27 =	vld [tilespmem:s20+$0xFFFFFFD0]  }
0x150: {  	v59 =	vld [tilespmem:s15+$0x10]  }
0x151: {  	v60 =	vld [tilespmem:s15+$0x20]  }
0x152: {  	s14 =	simm.s32 $0xB9C0;
	v61 =	vld [tilespmem:s20+$0x0]  }
0x153: {  	v62 =	vld [tilespmem:s14+$0x30]  }
0x154: {  	s29 =	simm.s32 $0x99C0;
	v63 =	vld [tilespmem:s14+$0xFFFFFFC0]  }
0x155: {  	v28 =	vld [tilespmem:s29+$0xFFFFFFD0]  }
0x156: {  	v30 =	vld [tilespmem:s14+$0xFFFFFFD0];
	v7 =	vshll.u32 v7, $0x6;
	v8 =	vshll.u32 v8, $0x3  }
0x157: {  	v7 =	vadd.s32 v7, v8;
	v8 =	vld [tilespmem:s26+$0xFFFFFFE0]  }
0x158: {  	v31 =	vld [tilespmem:s29+$0xFFFFFFE0]  }
0x159: {  	v7 =	vadd.s32 v10, v7;
	v10 =	vld [tilespmem:s23+$0xFFFFFFF0]  }
0x15a: {  	v44 =	vld [tilespmem:s14+$0xFFFFFFE0]  }
0x15b: {  	v45 =	vld [tilespmem:s29+$0xFFFFFFF0]  }
0x15c: {  	v32 =	vld [tilespmem:s14+$0xFFFFFFF0];
	v14 =	vshll.u32 v14, $0x6;
	v8 =	vshll.u32 v8, $0x3  }
0x15d: {  	v8 =	vadd.s32 v14, v8;
	v14 =	vshll.u32 v15, $0x3;
	v15 =	vld [tilespmem:s20+$0xFFFFFFF0]  }
0x15e: {  	v46 =	vld [tilespmem:s29+$0x0];
	v10 =	vshll.u32 v10, $0x6  }
0x15f: {  	v33 =	vld [tilespmem:s14+$0x0];
	v10 =	vadd.s32 v10, v14  }
0x160: {  	v34 =	vld [tilespmem:s29+$0x10];
	v10 =	vadd.s32 v25, v10  }
0x161: {  	v35 =	vld [tilespmem:s14+$0x10];
	v10 =	vshll.u32 v10, $0x3  }
0x162: {  	v37 =	vld [tilespmem:s29+$0x20];
	v10 =	vadd.s32 v15, v10  }
0x163: {  	v38 =	vld [tilespmem:s14+$0x20];
	v11 =	vshll.u32 v11, $0x6;
	v13 =	vshll.u32 v13, $0x3  }
0x164: {  	v11 =	vadd.s32 v11, v13;
	v13 =	vld [tilespmem:s20+$0xFFFFFFE0];
	v7 =	vshll.u32 v7, $0x3  }
0x165: {  	v9 =	vshll.u32 v9, $0x3;
	v21 =	vshll.u32 v21, $0x6;
	v7 =	vadd.s32 v12, v7;
	v12 =	vld [tilespmem:s23+$0x0]  }
0x166: {  	v9 =	vadd.s32 v21, v9;
	v14 =	vld [tilespmem:s15+$0x0]  }
0x167: {  	v9 =	vadd.s32 v22, v9;
	v8 =	vadd.s32 v24, v8;
	v24 =	vld.idx.msk [tilespmem:v10+s10+$0x0], $0xffff  }
0x168: {  	v11 =	vadd.s32 v23, v11;
	v9 =	vshll.u32 v9, $0x3;
	s15 =	simm.s32 $0xD9C0;
	v10 =	vld [tilespmem:s29+$0x30]  }
0x169: {  	v11 =	vshll.u32 v11, $0x3;
	v9 =	vadd.s32 v26, v9;
	v8 =	vshll.u32 v8, $0x3;
	v43 =	vld [tilespmem:s15+$0x30]  }
0x16a: {  	v11 =	vadd.s32 v27, v11;
	v8 =	vadd.s32 v13, v8;
	v13 =	vld [tilespmem:s20+$0x10]  }
0x16b: {  	v15 =	vld [tilespmem:s20+$0x20];
	s20 =	simm.s32 $0xF9C0  }
0x16c: {  	v29 =	vld [tilespmem:s20+$0x30]  }
0x16d: {  	v7 =	vld.idx.msk [tilespmem:v7+s10+$0x0], $0xffff;
	v25 =	vshll.u32 v62, $0x3;
	v10 =	vshll.u32 v10, $0x6  }
0x16e: {  	v9 =	vld.idx.msk [tilespmem:v9+s10+$0x0], $0xffff;
	v10 =	vadd.s32 v10, v25  }
0x16f: {  	v11 =	vld.idx.msk [tilespmem:v11+s10+$0x0], $0xffff;
	v10 =	vadd.s32 v43, v10  }
0x170: {  	v39 =	vld [tilespmem:s15+$0xFFFFFFC0];
	v10 =	vshll.u32 v10, $0x3  }
0x171: {  	v40 =	vld [tilespmem:s15+$0xFFFFFFE0];
	v10 =	vadd.s32 v29, v10  }
0x172: {  	v48 =	vld [tilespmem:s15+$0x0]  }
0x173: {  	v16 =	vshll.u32 v16, $0x3;
	v18 =	vshll.u32 v18, $0x3;
	v49 =	vld [tilespmem:s15+$0x10]  }
0x174: {  	v19 =	vshll.u32 v19, $0x6;
	v20 =	vshll.u32 v20, $0x3;
	v12 =	vshll.u32 v12, $0x6;
	v57 =	vld [tilespmem:s15+$0x20]  }
0x175: {  	v50 =	vshll.u32 v30, $0x3;
	v12 =	vadd.s32 v12, v16;
	v16 =	vshll.u32 v17, $0x6;
	v17 =	vld [tilespmem:s15+$0xFFFFFFD0]  }
0x176: {  	v52 =	vshll.u32 v63, $0x3;
	v54 =	vshll.u32 v31, $0x6;
	v56 =	vshll.u32 v32, $0x3;
	v36 =	vld.idx.msk [tilespmem:v10+s10+$0x0], $0xffff  }
0x177: {  	v47 =	vadd.s32 v19, v20;
	v27 =	vshll.u32 v45, $0x6;
	v16 =	vadd.s32 v16, v18;
	v10 =	vld [tilespmem:s29+$0xFFFFFFC0]  }
0x178: {  	v18 =	vadd.s32 v60, v47;
	v16 =	vadd.s32 v59, v16;
	v12 =	vadd.s32 v14, v12;
	v14 =	vld [tilespmem:s15+$0xFFFFFFF0]  }
0x179: {  	v58 =	vadd.s32 v27, v56;
	v18 =	vshll.u32 v18, $0x3;
	v16 =	vshll.u32 v16, $0x3;
	v51 =	vld [tilespmem:s20+$0xFFFFFFC0]  }
0x17a: {  	s23 =	simm.s32 $0x13940;
	v53 =	vld [tilespmem:s20+$0xFFFFFFD0];
	v12 =	vshll.u32 v12, $0x3;
	v13 =	vadd.s32 v13, v16;
	v16 =	vshll.u32 v28, $0x6  }
0x17b: {  	v55 =	vld [tilespmem:s20+$0xFFFFFFE0];
	[tilespmem:s23+$0xFFFFFFC0] =	vst v9;
	v9 =	vshll.u32 v46, $0x6;
	v12 =	vadd.s32 v61, v12;
	v16 =	vadd.s32 v16, v50  }
0x17c: {  	v59 =	vld [tilespmem:s20+$0xFFFFFFF0];
	v15 =	vadd.s32 v15, v18;
	v16 =	vadd.s32 v17, v16;
	v10 =	vshll.u32 v10, $0x6  }
0x17d: {  	v8 =	vld.idx.msk [tilespmem:v8+s10+$0x0], $0xffff;
	v16 =	vshll.u32 v16, $0x3;
	v25 =	vshll.u32 v44, $0x3;
	v10 =	vadd.s32 v10, v52  }
0x17e: {  	v60 =	vld [tilespmem:s20+$0x0];
	[tilespmem:s23+$0x30] =	vst v7;
	v7 =	vadd.s32 v14, v58;
	v23 =	vadd.s32 v54, v25;
	v10 =	vadd.s32 v39, v10  }
0x17f: {  	v61 =	vld [tilespmem:s20+$0x10];
	v14 =	vadd.s32 v53, v16;
	v17 =	vadd.s32 v40, v23;
	v10 =	vshll.u32 v10, $0x3  }
0x180: {  	v7 =	vshll.u32 v7, $0x3;
	v62 =	vld.idx.msk [tilespmem:v12+s10+$0x0], $0xffff;
	v17 =	vshll.u32 v17, $0x3;
	v22 =	vadd.s32 v51, v10  }
0x181: {  	[tilespmem:s23+$0xFFFFFFD0] =	vst v11;
	v11 =	vshll.u32 v37, $0x6;
	v63 =	vadd.s32 v59, v7;
	v12 =	vld.idx.msk [tilespmem:v15+s10+$0x0], $0xffff;
	v16 =	vadd.s32 v55, v17  }
0x182: {  	v7 =	vshll.u32 v34, $0x6;
	[tilespmem:s23+$0xFFFFFFE0] =	vst v8;
	v8 =	vshll.u32 v35, $0x3;
	v17 =	vld [tilespmem:s20+$0x20];
	v10 =	vshll.u32 v33, $0x3  }
0x183: {  	v7 =	vadd.s32 v7, v8;
	v9 =	vadd.s32 v9, v10;
	v10 =	vld.idx.msk [tilespmem:v13+s10+$0x0], $0xffff;
	v13 =	vshll.u32 v38, $0x3  }
0x184: {  	[tilespmem:s23+$0xFFFFFFF0] =	vst v24;
	v7 =	vadd.s32 v49, v7;
	v8 =	vadd.s32 v11, v13;
	v13 =	vld.idx.msk [tilespmem:v14+s10+$0x0], $0xffff  }
0x185: {  	s26 =	simm.s32 $0x139C0;
	[tilespmem:s23+$0x0] =	vst v62;
	v9 =	vadd.s32 v48, v9;
	v8 =	vadd.s32 v57, v8;
	v11 =	vld.idx.msk [tilespmem:v22+s10+$0x0], $0xffff  }
0x186: {  	v15 =	vshll.u32 v7, $0x3;
	[tilespmem:s26+$0x30] =	vst v36;
	v14 =	vld.idx.msk [tilespmem:v16+s10+$0x0], $0xffff;
	v9 =	vshll.u32 v9, $0x3;
	v8 =	vshll.u32 v8, $0x3  }
0x187: {  	s28 =	simm.s32 $0x8;
	s12 =	simm.s32 $0x9A40;
	v7 =	vadd.s32 v60, v9;
	v9 =	vadd.s32 v61, v15;
	v15 =	vld.idx.msk [tilespmem:v63+s10+$0x0], $0xffff;
	v8 =	vadd.s32 v17, v8  }
.LBB2_9:
0x188: {  	v16 =	vld [tilespmem:s12+$0x30];
	s14 =	sadd.s32 $0x80, s14;
	[tilespmem:s23+$0x10] =	vst v10  }
0x189: {  	s28 =	sadd.s32 $0x8, s28;
	v10 =	vld [tilespmem:s14+$0x30];
	[tilespmem:s23+$0x20] =	vst v12;
	s23 =	smov.u32 s26  }
0x18a: {  	s15 =	sadd.s32 $0x80, s15;
	p1 =	slt.u32 s28, $0x1F8;
	v12 =	vld [tilespmem:s14+$0xFFFFFFC0];
	[tilespmem:s26+$0xFFFFFFC0] =	vst v11  }
0x18b: {  	v11 =	vld [tilespmem:s15+$0x30];
	[tilespmem:s26+$0xFFFFFFD0] =	vst v13  }
0x18c: {  	s20 =	sadd.s32 $0x80, s20;
	v13 =	vld [tilespmem:s12+$0xFFFFFFD0];
	[tilespmem:s26+$0xFFFFFFE0] =	vst v14  }
0x18d: {  	v14 =	vld [tilespmem:s20+$0x30];
	[tilespmem:s26+$0xFFFFFFF0] =	vst v15  }
0x18e: {  	v16 =	vshll.u32 v16, $0x6;
	v15 =	vld [tilespmem:s14+$0xFFFFFFD0];
	v10 =	vshll.u32 v10, $0x3  }
0x18f: {  	v12 =	vshll.u32 v12, $0x3;
	v17 =	vld [tilespmem:s12+$0xFFFFFFE0];
	v10 =	vadd.s32 v16, v10  }
0x190: {  	v16 =	vld [tilespmem:s14+$0xFFFFFFE0];
	v10 =	vadd.s32 v11, v10  }
0x191: {  	v11 =	vshll.u32 v13, $0x6;
	v13 =	vld [tilespmem:s12+$0xFFFFFFF0];
	v10 =	vshll.u32 v10, $0x3  }
0x192: {  	v18 =	vld [tilespmem:s14+$0xFFFFFFF0];
	v10 =	vadd.s32 v14, v10  }
0x193: {  	v14 =	vshll.u32 v15, $0x3;
	v15 =	vld [tilespmem:s12+$0x0]  }
0x194: {  	v11 =	vadd.s32 v11, v14;
	v14 =	vshll.u32 v17, $0x6;
	v17 =	vld [tilespmem:s14+$0x0]  }
0x195: {  	v16 =	vshll.u32 v16, $0x3;
	v19 =	vld [tilespmem:s12+$0x10]  }
0x196: {  	v14 =	vadd.s32 v14, v16;
	v13 =	vshll.u32 v13, $0x6;
	v16 =	vld [tilespmem:s14+$0x10]  }
0x197: {  	v18 =	vshll.u32 v18, $0x3;
	v10 =	vld.idx.msk [tilespmem:v10+s10+$0x0], $0xffff  }
0x198: {  	v13 =	vadd.s32 v13, v18;
	v15 =	vshll.u32 v15, $0x6;
	v18 =	vld [tilespmem:s12+$0x20]  }
0x199: {  	v17 =	vshll.u32 v17, $0x3;
	v20 =	vld [tilespmem:s14+$0x20]  }
0x19a: {  	v21 =	vld [tilespmem:s12+$0xFFFFFFC0];
	v15 =	vadd.s32 v15, v17;
	v17 =	vshll.u32 v19, $0x6  }
0x19b: {  	v19 =	vld [tilespmem:s15+$0xFFFFFFC0];
	v16 =	vshll.u32 v16, $0x3  }
0x19c: {  	s26 =	sadd.s32 $0x80, s26;
	v22 =	vld [tilespmem:s15+$0xFFFFFFD0];
	v16 =	vadd.s32 v17, v16  }
0x19d: {  	v17 =	vld [tilespmem:s15+$0xFFFFFFE0];
	v18 =	vshll.u32 v18, $0x6;
	[tilespmem:s26+$0x30] =	vst v10  }
0x19e: {  	v10 =	vld [tilespmem:s15+$0xFFFFFFF0];
	v20 =	vshll.u32 v20, $0x3  }
0x19f: {  	v21 =	vshll.u32 v21, $0x6;
	v23 =	vld [tilespmem:s15+$0x0];
	v18 =	vadd.s32 v18, v20  }
0x1a0: {  	v12 =	vadd.s32 v21, v12;
	v20 =	vld [tilespmem:s15+$0x10]  }
0x1a1: {  	v12 =	vadd.s32 v19, v12;
	v11 =	vadd.s32 v22, v11;
	v19 =	vld [tilespmem:s15+$0x20]  }
0x1a2: {  	v12 =	vshll.u32 v12, $0x3;
	v21 =	vld [tilespmem:s20+$0xFFFFFFC0];
	v11 =	vshll.u32 v11, $0x3;
	v14 =	vadd.s32 v17, v14  }
0x1a3: {  	v17 =	vld [tilespmem:s20+$0xFFFFFFD0];
	v14 =	vshll.u32 v14, $0x3;
	v10 =	vadd.s32 v10, v13  }
0x1a4: {  	v13 =	vld [tilespmem:s20+$0xFFFFFFE0];
	v10 =	vshll.u32 v10, $0x3;
	v15 =	vadd.s32 v23, v15  }
0x1a5: {  	v22 =	vld [tilespmem:s20+$0xFFFFFFF0];
	v15 =	vshll.u32 v15, $0x3;
	v16 =	vadd.s32 v20, v16  }
0x1a6: {  	v20 =	vld [tilespmem:s20+$0x0];
	v16 =	vshll.u32 v16, $0x3;
	v18 =	vadd.s32 v19, v18  }
0x1a7: {  	v19 =	vadd.s32 v21, v12;
	v21 =	vld [tilespmem:s20+$0x10];
	v18 =	vshll.u32 v18, $0x3  }
0x1a8: {  	v17 =	vadd.s32 v17, v11;
	v23 =	vld [tilespmem:s20+$0x20]  }
0x1a9: {  	v14 =	vadd.s32 v13, v14;
	v24 =	vld.idx.msk [tilespmem:v7+s10+$0x0], $0xffff  }
0x1aa: {  	v22 =	vadd.s32 v22, v10;
	v10 =	vld.idx.msk [tilespmem:v9+s10+$0x0], $0xffff  }
.Ltmp3:
0x1ab: {  	v7 =	vadd.s32 v20, v15;
	v12 =	vld.idx.msk [tilespmem:v8+s10+$0x0], $0xffff;
	(pc) =	sbr.rel @p1 .LBB2_9-.Ltmp3, $4  }
0x1ac: {  	v11 =	vld.idx.msk [tilespmem:v19+s10+$0x0], $0xffff;
	v9 =	vadd.s32 v21, v16  }
0x1ad: {  	v13 =	vld.idx.msk [tilespmem:v17+s10+$0x0], $0xffff;
	v8 =	vadd.s32 v23, v18  }
0x1ae: {  	v14 =	vld.idx.msk [tilespmem:v14+s10+$0x0], $0xffff  }
0x1af: {  	s12 =	sadd.s32 $0x80, s12;
	v15 =	vld.idx.msk [tilespmem:v22+s10+$0x0], $0xffff;
	[tilespmem:s23+$0x0] =	vst v24  }
0x1b0: {  	_ =	sdelay $0x2  }
0x1b1: {  	[tilespmem:s23+$0x10] =	vst v10  }
0x1b2: {  	[tilespmem:s23+$0x20] =	vst v12;
	v7 =	vld.idx.msk [tilespmem:v7+s10+$0x0], $0xffff  }
0x1b3: {  	v9 =	vld.idx.msk [tilespmem:v9+s10+$0x0], $0xffff;
	[tilespmem:s26+$0xFFFFFFC0] =	vst v11  }
0x1b4: {  	v8 =	vld.idx.msk [tilespmem:v8+s10+$0x0], $0xffff;
	[tilespmem:s26+$0xFFFFFFD0] =	vst v13  }
0x1b5: {  	[tilespmem:s26+$0xFFFFFFE0] =	vst v14  }
.Ltmp4:
0x1b6: {  	[tilespmem:s26+$0xFFFFFFF0] =	vst v15;
	(pc) =	sbr.rel @p0 .LBB2_6-.Ltmp4, $4  }
0x1b7: {  	[tilespmem:s26+$0x0] =	vst v7  }
0x1b8: {  	s12 =	sadd.s32 s8, s13;
	[tilespmem:s26+$0x10] =	vst v9  }
0x1b9: {  	s13 =	simm.s32 $0x4000;
	p2 =	por $0x0, $0x0;
	p1 =	por $0x1, $0x1;
	[tilespmem:s26+$0x20] =	vst v8  }
0x1ba: {  	[hbm4b:s12+s10] =	stream.linear.scatter [tilespmem:s25], [sflag:$0x5], $0x2000, $0x38;
	[tilespmem:$0x15900] =	vst v63  }
0x1bb: {  	s12 =	simm.s32 $0x4  }
0x1bc: {  	_ =	swait.ge [sflag:s12], $0x2000  }
0x1bd: {  	[sflag:s12] =	ssyncset.done $0x0  }
0x1be: {  	s13 =	simm.s32 $0x5;
	[sflag:s12] =	ssyncadd.s32 $0xFFFFE000  }
0x1bf: {  	_ =	swait.ge [sflag:s13], $0x2000  }
0x1c0: {  	s14 =	rddreg [dreg:$0xe]  }
0x1c1: {  	s29 =	rddreg [dreg:$0xd];
	s14 =	sadd.s32 $0x1, s14  }
0x1c2: {  	p0 =	sne.s32 s14, s29  }
.Ltmp5:
0x1c3: {  	_ = 	snop;
	(pc) =	sbr.rel @p0 .LBB2_1-.Ltmp5, $3  }
0x1c4: {  	_ =	sdelay $0x1  }
0x1c5: {  	[sflag:s13] =	ssyncset.done $0x0  }
0x1c6: {  	[sflag:s13] =	ssyncadd.s32 $0xFFFFE000  }
0x1c7: {  	_ =	sfence.sel $0x180000  }
0x1c8: {  	[bflag:$0x0] =	sbarrier.arrive $0xFFFF  }
0x1c9: {  	_ =	strace $0x90000047  }
0x1ca: {  	s0 =	stileid.u32;
	[bflag:$0x2] =	sbarrier.arrive $0xFFFF  }
0x1cb: {  	p0 =	sne.s32 s0, $0x0;
	s0 =	rddreg [dreg:$0x8]  }
0x1cc: {  	s0 =	sadd.s32 @!p0 $0x100000, s0  }
0x1cd: {  	[sflag:s0] =	ssyncadd.tile.s32 @!p0 $0x1;
	_ =	shalt  }
.Lfunc_end2:
_tile_overlayer_lowered:
.L_overlay_start_2:
0x1ce: {  	(tag) =	ssettag $0x2  }
0x1cf: {  	s0 =	rddreg [dreg:$0x0];
	s2 =	stileid.u32  }
0x1d0: {  	s1 =	rddreg [dreg:$0x1];
	p0 =	sne.s32 s2, $0x0  }
0x1d1: {  	s3 =	rddreg [dreg:$0x2];
	[bflag:$0x3] =	sbarrier.arrive $0xFFFF;
	s2 =	simm.s32 @!p0 $0x1C06  }
0x1d2: {  	[timem:s3], [sflag:s2] =	dma.local @!p0 [hbm:s0], s1  }
0x1d3: {  	s0 =	simm.s32 @!p0 $0x6  }
0x1d4: {  	_ =	swait.ge @!p0 [sflag:s0], s1  }
0x1d5: {  	s1 =	ssub.s32 @!p0 $0x0, s1;
	[sflag:s0] =	ssyncset.done @!p0 $0x0  }
0x1d6: {  	[sflag:s0] =	ssyncadd.s32 @!p0 s1  }
0x1d7: {  	[bflag:$0x3] =	sbarrier.arrive $0xFFFF  }
0x1d8: {  	_ =	shalt  }

</sc_bundles>
